<compile_context>
chip_gen: v7x
topology: tpu7x:2x2x1
jax: 0.10.2.dev20260603
libtpu: 0.0.44.dev20260713+nightly
codegen_flags: <defaults>
</compile_context>

<pallas_src>
import functools

import jax
import jax.numpy as jnp
from jax import lax
from jax.experimental import pallas as pl
from jax.experimental.pallas import tpu as pltpu
from jax.experimental.pallas import tpu_sc as plsc

D = 128
C = 10000
C2 = C // 2
ACC_R = C2 + 8
CNT_W = 16
R = 128
NC = 2
NS = 16


def _partials_sc(x, cls_t):
    n = x.shape[0]
    nblk = n // R
    nfull = nblk // NS * NS
    ntail = nblk - nfull
    niter = nfull // NS
    npair = niter // 2
    rows_o = C2 // NS // 8 * 8
    rows_rem = C2 - rows_o * NS

    mesh = plsc.VectorSubcoreMesh(core_axis_name="c", subcore_axis_name="s",
                                  num_cores=NC)

    @functools.partial(
        pl.kernel,
        mesh=mesh,
        out_type=[
            jax.ShapeDtypeStruct((C, D), jnp.float32),
            jax.ShapeDtypeStruct((NC, ACC_R), jnp.float32),
        ],
        scratch_types=[
            pltpu.VMEM((R, D), jnp.float32),
            pltpu.VMEM((R, D), jnp.float32),
            pltpu.VMEM((R,), jnp.int32),
            pltpu.VMEM((R,), jnp.int32),
            pltpu.VMEM((R,), jnp.float32),
            pltpu.VMEM((R,), jnp.int32),
            pltpu.VMEM_SHARED((ACC_R, D), jnp.float32),
            pltpu.VMEM_SHARED((ACC_R,), jnp.float32),
            pltpu.SemaphoreType.DMA,
            pltpu.SemaphoreType.DMA,
            pltpu.SemaphoreType.DMA,
            pltpu.SemaphoreType.DMA,
            pltpu.SemaphoreType.DMA,
            pltpu.SemaphoreType.DMA,
            pltpu.SemaphoreType.DMA,
            pltpu.SemaphoreType.DMA,
        ],
    )
    def seg_partials(x_hbm, cls_hbm, meta_hbm, zs_hbm, zc_hbm,
                     sums_out, cnts_out,
                     xb0, xb1, id0, id1, onesv, metav,
                     acc_s, acc_c, semx0, semx1, semi0, semi1,
                     sema0, sema1, semb0, semb1):
        cid = lax.axis_index("c")
        sid = lax.axis_index("s")
        xb = (xb0, xb1)
        idb = (id0, id1)
        semx = (semx0, semx1)
        semi = (semi0, semi1)

        for j in range(R // 16):
            onesv[pl.ds(j * 16, 16)] = jnp.ones((16,), jnp.float32)

        @pl.when(sid == 0)
        def _zero():
            pltpu.sync_copy(zs_hbm, acc_s)
            pltpu.sync_copy(zc_hbm, acc_c)

        pltpu.sync_copy(meta_hbm, metav)
        mv = metav[pl.ds(0, 16)]
        bhi0 = mv[0]
        blo1 = mv[1]
        start = jnp.where(cid == 0, 0, blo1)
        count = jnp.where(cid == 0, bhi0, nblk - blo1)
        niter = (count - sid + 15) >> 4
        npair = (niter + 1) >> 1

        plsc.subcore_barrier()

        def issue(i, b):
            r0 = (start + sid + NS * i) * R
            pltpu.make_async_copy(x_hbm.at[pl.ds(r0, R)], xb[b],
                                  semx[b]).start()
            pltpu.make_async_copy(cls_hbm.at[cid, pl.ds(r0, R)], idb[b],
                                  semi[b]).start()

        def wait(i, b):
            r0 = (start + sid + NS * i) * R
            pltpu.make_async_copy(x_hbm.at[pl.ds(r0, R)], xb[b],
                                  semx[b]).wait()
            pltpu.make_async_copy(cls_hbm.at[cid, pl.ds(r0, R)], idb[b],
                                  semi[b]).wait()

        def process(b):
            pltpu.sync_copy(xb[b], acc_s.at[idb[b]], add=True)
            pltpu.sync_copy(onesv, acc_c.at[idb[b]], add=True)

        sema = (sema0, sema1)
        semb = (semb0, semb1)

        def scat_start(b):
            pltpu.async_copy(xb[b], acc_s.at[idb[b]], sema[b], add=True)
            pltpu.async_copy(onesv, acc_c.at[idb[b]], semb[b], add=True)

        def scat_wait(b):
            pltpu.make_async_copy(xb[b], acc_s.at[idb[b]], sema[b]).wait()
            pltpu.make_async_copy(onesv, acc_c.at[idb[b]], semb[b]).wait()

        @pl.when(niter >= 1)
        def _prime0():
            issue(0, 0)

        @pl.when(niter >= 2)
        def _prime1():
            issue(1, 1)

        def body(p, _):
            i0 = 2 * p
            wait(i0, 0)
            scat_start(0)

            @pl.when(i0 + 1 < niter)
            def _step1():
                wait(i0 + 1, 1)
                scat_start(1)

            scat_wait(0)

            @pl.when(i0 + 2 < niter)
            def _issue0():
                issue(i0 + 2, 0)

            @pl.when(i0 + 1 < niter)
            def _fin1():
                scat_wait(1)

                @pl.when(i0 + 3 < niter)
                def _issue1():
                    issue(i0 + 3, 1)

            return _

        lax.fori_loop(0, npair, body, None)

        plsc.subcore_barrier()

        o0 = sid * rows_o
        pltpu.sync_copy(acc_s.at[pl.ds(o0, rows_o)],
                        sums_out.at[pl.ds(cid * C2 + o0, rows_o)])

        @pl.when(sid == NS - 1)
        def _write_rem():
            zr = NS * rows_o
            pltpu.sync_copy(acc_s.at[pl.ds(zr, rows_rem)],
                            sums_out.at[pl.ds(cid * C2 + zr, rows_rem)])

        @pl.when(sid == 0)
        def _write_cnts():
            pltpu.sync_copy(acc_c, cnts_out.at[cid])

    mid = jnp.searchsorted(cls_t[0], jnp.int32(C2), side="left")
    bhi0 = (mid.astype(jnp.int32) + (R - 1)) // R
    blo1 = mid.astype(jnp.int32) // R
    meta = jnp.broadcast_to(jnp.stack([bhi0, blo1])[None, :], (64, 2))
    meta = meta.reshape(R).astype(jnp.int32)
    zs = jnp.zeros((ACC_R, D), jnp.float32)
    zc = jnp.zeros((ACC_R,), jnp.float32)
    return seg_partials(x, cls_t, meta, zs, zc)


def _divide_tc(sums, cnts):
    bc = 2000

    def divide(s_ref, c_ref, o_ref):
        o_ref[...] = s_ref[...] * (1.0 / jnp.maximum(c_ref[...], 1.0))

    return pl.pallas_call(
        divide,
        grid=(C // bc,),
        in_specs=[
            pl.BlockSpec((bc, D), lambda i: (i, 0)),
            pl.BlockSpec((bc, 1), lambda i: (i, 0)),
        ],
        out_specs=pl.BlockSpec((bc, D), lambda i: (i, 0)),
        out_shape=jax.ShapeDtypeStruct((C, D), jnp.float32),
    )(sums, cnts)


def kernel(x, classes, total_classes):
    classes = classes.astype(jnp.int32)
    cls0 = jnp.minimum(classes, C2)
    cls1 = jnp.where(classes >= C2, classes - C2, C2)
    cls_t = jnp.stack([cls0, cls1])
    sums, cnts2 = _partials_sc(x, cls_t)
    cnts = jnp.concatenate([cnts2[0, :C2], cnts2[1, :C2]])
    return _divide_tc(sums, cnts[:, None])

# --- scband reference (transcript-rebuilt; emitter-appended) ---
"""Pipeline reference for scband-layer-class-mean-29480655520074 (READ-ONLY COPY).

The authoritative reference and input builder live on the scoring server;
editing this copy changes nothing except your own understanding.
"""

import jax, jax.numpy as jnp
import numpy as np

N = 320000
D = 128
TOTAL_CLASSES = 10000


def setup_inputs(seed: int = 0) -> dict:
    key = jax.random.key(seed)
    k1, k2 = jax.random.split(key)
    x = jax.random.normal(k1, (N, D), dtype=jnp.float32)
    classes = jnp.sort(jax.random.randint(k2, (N,), 0, TOTAL_CLASSES, dtype=jnp.int32))
    return {"x": x, "classes": classes, "total_classes": TOTAL_CLASSES}


def reference(x, classes, total_classes):
    # Original torch module builds a one-hot matrix [total_classes, N] and computes
    # diag(1/counts) @ (one_hot @ x). Mathematically this is exactly a per-class
    # (segment) mean: segment_sum(x) / segment_count.
    seg_ids = jnp.minimum(classes.astype(jnp.int32), total_classes - 1)
    sums = jax.ops.segment_sum(x, seg_ids, num_segments=TOTAL_CLASSES)
    cases_per_class = jax.ops.segment_sum(
        jnp.ones((x.shape[0],), dtype=x.dtype), seg_ids, num_segments=TOTAL_CLASSES
    )
    class_mean = sums * (1.0 / cases_per_class)[:, None]
    return class_mean

if __name__ == "__main__":
    import jax
    _d = setup_inputs()
    print(jax.jit(kernel)(*tuple(_d.values())))

</pallas_src>

<mosaic_0001>
#map = affine_map<(d0, d1) -> (0, 0)>
#map1 = affine_map<(d0, d1) -> (0)>
module attributes {stable_mosaic.version = 14 : i64} {
  func.func @seg_partials(%arg0: i32, %arg1: i32, %arg2: memref<320000x128xf32, #tpu.memory_space<hbm>>, %arg3: memref<2x320000xi32, #tpu.memory_space<hbm>>, %arg4: memref<128xi32, #tpu.memory_space<hbm>>, %arg5: memref<5008x128xf32, #tpu.memory_space<hbm>>, %arg6: memref<5008xf32, #tpu.memory_space<hbm>>, %arg7: memref<10000x128xf32, #tpu.memory_space<hbm>>, %arg8: memref<2x5008xf32, #tpu.memory_space<hbm>>, %arg9: memref<128x128xf32, #tpu.memory_space<vmem>>, %arg10: memref<128x128xf32, #tpu.memory_space<vmem>>, %arg11: memref<128xi32, #tpu.memory_space<vmem>>, %arg12: memref<128xi32, #tpu.memory_space<vmem>>, %arg13: memref<128xf32, #tpu.memory_space<vmem>>, %arg14: memref<128xi32, #tpu.memory_space<vmem>>, %arg15: memref<5008x128xf32, #tpu.memory_space<vmem_shared>>, %arg16: memref<5008xf32, #tpu.memory_space<vmem_shared>>, %arg17: memref<!tpu.dma_semaphore, #tpu.memory_space<semaphore_mem>>, %arg18: memref<!tpu.dma_semaphore, #tpu.memory_space<semaphore_mem>>, %arg19: memref<!tpu.dma_semaphore, #tpu.memory_space<semaphore_mem>>, %arg20: memref<!tpu.dma_semaphore, #tpu.memory_space<semaphore_mem>>, %arg21: memref<!tpu.dma_semaphore, #tpu.memory_space<semaphore_mem>>, %arg22: memref<!tpu.dma_semaphore, #tpu.memory_space<semaphore_mem>>, %arg23: memref<!tpu.dma_semaphore, #tpu.memory_space<semaphore_mem>>, %arg24: memref<!tpu.dma_semaphore, #tpu.memory_space<semaphore_mem>>) attributes {dimension_semantics = [#tpu.dimension_semantics<core_parallel>, #tpu.dimension_semantics<subcore_parallel>], iteration_bounds = array<i64: 2, 16>, scalar_prefetch = 0 : i64, scratch_operands = 16 : i64, tpu.core_type = #tpu.core_type<sc_vector_subcore>, window_params = [{transform_indices = #map}, {transform_indices = #map}, {transform_indices = #map1}, {transform_indices = #map}, {transform_indices = #map1}, {transform_indices = #map}, {transform_indices = #map}]} {
    %broadcast_in_dim3A = arith.constant 1.000000e+00 : f32
    %broadcast_in_dim3A_0 = vector.broadcast %broadcast_in_dim3A : f32 to vector<16xf32>
    %swap3A = arith.constant 0 : index
    %swap3A_1 = tpu.vector_load %arg13[%swap3A] {strides = array<i32>} : memref<128xf32, #tpu.memory_space<vmem>>, vector<16xf32>,
    %swap3A_2 = vector.shape_cast %swap3A_1 : vector<16xf32> to vector<16xf32>
    %swap3A_3 = vector.shape_cast %broadcast_in_dim3A_0 : vector<16xf32> to vector<16xf32>
    tpu.vector_store %arg13[%swap3A], %swap3A_3 {strides = array<i32>} : memref<128xf32, #tpu.memory_space<vmem>>, vector<16xf32>,
    %broadcast_in_dim3A_4 = arith.constant 1.000000e+00 : f32
    %broadcast_in_dim3A_5 = vector.broadcast %broadcast_in_dim3A_4 : f32 to vector<16xf32>
    %swap3A_6 = arith.constant 16 : index
    %swap3A_7 = tpu.vector_load %arg13[%swap3A_6] {strides = array<i32>} : memref<128xf32, #tpu.memory_space<vmem>>, vector<16xf32>,
    %swap3A_8 = vector.shape_cast %swap3A_7 : vector<16xf32> to vector<16xf32>
    %swap3A_9 = vector.shape_cast %broadcast_in_dim3A_5 : vector<16xf32> to vector<16xf32>
    tpu.vector_store %arg13[%swap3A_6], %swap3A_9 {strides = array<i32>} : memref<128xf32, #tpu.memory_space<vmem>>, vector<16xf32>,
    %broadcast_in_dim3A_10 = arith.constant 1.000000e+00 : f32
    %broadcast_in_dim3A_11 = vector.broadcast %broadcast_in_dim3A_10 : f32 to vector<16xf32>
    %swap3A_12 = arith.constant 32 : index
    %swap3A_13 = tpu.vector_load %arg13[%swap3A_12] {strides = array<i32>} : memref<128xf32, #tpu.memory_space<vmem>>, vector<16xf32>,
    %swap3A_14 = vector.shape_cast %swap3A_13 : vector<16xf32> to vector<16xf32>
    %swap3A_15 = vector.shape_cast %broadcast_in_dim3A_11 : vector<16xf32> to vector<16xf32>
    tpu.vector_store %arg13[%swap3A_12], %swap3A_15 {strides = array<i32>} : memref<128xf32, #tpu.memory_space<vmem>>, vector<16xf32>,
    %broadcast_in_dim3A_16 = arith.constant 1.000000e+00 : f32
    %broadcast_in_dim3A_17 = vector.broadcast %broadcast_in_dim3A_16 : f32 to vector<16xf32>
    %swap3A_18 = arith.constant 48 : index
    %swap3A_19 = tpu.vector_load %arg13[%swap3A_18] {strides = array<i32>} : memref<128xf32, #tpu.memory_space<vmem>>, vector<16xf32>,
    %swap3A_20 = vector.shape_cast %swap3A_19 : vector<16xf32> to vector<16xf32>
    %swap3A_21 = vector.shape_cast %broadcast_in_dim3A_17 : vector<16xf32> to vector<16xf32>
    tpu.vector_store %arg13[%swap3A_18], %swap3A_21 {strides = array<i32>} : memref<128xf32, #tpu.memory_space<vmem>>, vector<16xf32>,
    %broadcast_in_dim3A_22 = arith.constant 1.000000e+00 : f32
    %broadcast_in_dim3A_23 = vector.broadcast %broadcast_in_dim3A_22 : f32 to vector<16xf32>
    %swap3A_24 = arith.constant 64 : index
    %swap3A_25 = tpu.vector_load %arg13[%swap3A_24] {strides = array<i32>} : memref<128xf32, #tpu.memory_space<vmem>>, vector<16xf32>,
    %swap3A_26 = vector.shape_cast %swap3A_25 : vector<16xf32> to vector<16xf32>
    %swap3A_27 = vector.shape_cast %broadcast_in_dim3A_23 : vector<16xf32> to vector<16xf32>
    tpu.vector_store %arg13[%swap3A_24], %swap3A_27 {strides = array<i32>} : memref<128xf32, #tpu.memory_space<vmem>>, vector<16xf32>,
    %broadcast_in_dim3A_28 = arith.constant 1.000000e+00 : f32
    %broadcast_in_dim3A_29 = vector.broadcast %broadcast_in_dim3A_28 : f32 to vector<16xf32>
    %swap3A_30 = arith.constant 80 : index
    %swap3A_31 = tpu.vector_load %arg13[%swap3A_30] {strides = array<i32>} : memref<128xf32, #tpu.memory_space<vmem>>, vector<16xf32>,
    %swap3A_32 = vector.shape_cast %swap3A_31 : vector<16xf32> to vector<16xf32>
    %swap3A_33 = vector.shape_cast %broadcast_in_dim3A_29 : vector<16xf32> to vector<16xf32>
    tpu.vector_store %arg13[%swap3A_30], %swap3A_33 {strides = array<i32>} : memref<128xf32, #tpu.memory_space<vmem>>, vector<16xf32>,
    %broadcast_in_dim3A_34 = arith.constant 1.000000e+00 : f32
    %broadcast_in_dim3A_35 = vector.broadcast %broadcast_in_dim3A_34 : f32 to vector<16xf32>
    %swap3A_36 = arith.constant 96 : index
    %swap3A_37 = tpu.vector_load %arg13[%swap3A_36] {strides = array<i32>} : memref<128xf32, #tpu.memory_space<vmem>>, vector<16xf32>,
    %swap3A_38 = vector.shape_cast %swap3A_37 : vector<16xf32> to vector<16xf32>
    %swap3A_39 = vector.shape_cast %broadcast_in_dim3A_35 : vector<16xf32> to vector<16xf32>
    tpu.vector_store %arg13[%swap3A_36], %swap3A_39 {strides = array<i32>} : memref<128xf32, #tpu.memory_space<vmem>>, vector<16xf32>,
    %broadcast_in_dim3A_40 = arith.constant 1.000000e+00 : f32
    %broadcast_in_dim3A_41 = vector.broadcast %broadcast_in_dim3A_40 : f32 to vector<16xf32>
    %swap3A_42 = arith.constant 112 : index
    %swap3A_43 = tpu.vector_load %arg13[%swap3A_42] {strides = array<i32>} : memref<128xf32, #tpu.memory_space<vmem>>, vector<16xf32>,
    %swap3A_44 = vector.shape_cast %swap3A_43 : vector<16xf32> to vector<16xf32>
    %swap3A_45 = vector.shape_cast %broadcast_in_dim3A_41 : vector<16xf32> to vector<16xf32>
    tpu.vector_store %arg13[%swap3A_42], %swap3A_45 {strides = array<i32>} : memref<128xf32, #tpu.memory_space<vmem>>, vector<16xf32>,
    %eq3A = arith.constant 0 : i32
    %eq3A_46 = arith.cmpi eq, %arg1, %eq3A : i32
    %convert_element_type3A = arith.extui %eq3A_46 : i1 to i32
    %cond3A = arith.constant 0 : i32
    %cond3A_47 = arith.cmpi ne, %convert_element_type3A, %cond3A : i32
    scf.if %cond3A_47 {
      "tpu.region"() ({
        %run_scoped3A = tpu.sem_alloc : memref<!tpu.dma_semaphore, #tpu.memory_space<semaphore_mem>>
        tpu.enqueue_dma source(%arg5 : memref<5008x128xf32, #tpu.memory_space<hbm>>) target(%arg15 : memref<5008x128xf32, #tpu.memory_space<vmem_shared>>) target_semaphore(%run_scoped3A : memref<!tpu.dma_semaphore, #tpu.memory_space<semaphore_mem>>)
        tpu.wait_dma2 semaphore(%run_scoped3A : memref<!tpu.dma_semaphore, #tpu.memory_space<semaphore_mem>>) src(%arg5 : memref<5008x128xf32, #tpu.memory_space<hbm>>) dst(%arg15 : memref<5008x128xf32, #tpu.memory_space<vmem_shared>>)
        tpu.yield
      }) : () -> ()
      "tpu.region"() ({
        %run_scoped3A = tpu.sem_alloc : memref<!tpu.dma_semaphore, #tpu.memory_space<semaphore_mem>>
        tpu.enqueue_dma source(%arg6 : memref<5008xf32, #tpu.memory_space<hbm>>) target(%arg16 : memref<5008xf32, #tpu.memory_space<vmem_shared>>) target_semaphore(%run_scoped3A : memref<!tpu.dma_semaphore, #tpu.memory_space<semaphore_mem>>)
        tpu.wait_dma2 semaphore(%run_scoped3A : memref<!tpu.dma_semaphore, #tpu.memory_space<semaphore_mem>>) src(%arg6 : memref<5008xf32, #tpu.memory_space<hbm>>) dst(%arg16 : memref<5008xf32, #tpu.memory_space<vmem_shared>>)
        tpu.yield
      }) : () -> ()
    } else {
    }
    "tpu.region"() ({
      %run_scoped3A = tpu.sem_alloc : memref<!tpu.dma_semaphore, #tpu.memory_space<semaphore_mem>>
      tpu.enqueue_dma source(%arg4 : memref<128xi32, #tpu.memory_space<hbm>>) target(%arg14 : memref<128xi32, #tpu.memory_space<vmem>>) target_semaphore(%run_scoped3A : memref<!tpu.dma_semaphore, #tpu.memory_space<semaphore_mem>>)
      tpu.wait_dma2 semaphore(%run_scoped3A : memref<!tpu.dma_semaphore, #tpu.memory_space<semaphore_mem>>) src(%arg4 : memref<128xi32, #tpu.memory_space<hbm>>) dst(%arg14 : memref<128xi32, #tpu.memory_space<vmem>>)
      tpu.yield
    }) : () -> ()
    %get3A = arith.constant 0 : index
    %get3A_48 = tpu.vector_load %arg14[%get3A] {strides = array<i32>} : memref<128xi32, #tpu.memory_space<vmem>>, vector<16xi32>,
    %get3A_49 = vector.shape_cast %get3A_48 : vector<16xi32> to vector<16xi32>
    %slice3A = vector.extract_strided_slice %get3A_49 {offsets = [0], sizes = [1], strides = [1]} : vector<16xi32> to vector<1xi32>
    %squeeze3A = vector.extract %slice3A[0] : i32 from vector<1xi32>
    %slice3A_50 = vector.extract_strided_slice %get3A_49 {offsets = [1], sizes = [1], strides = [1]} : vector<16xi32> to vector<1xi32>
    %squeeze3A_51 = vector.extract %slice3A_50[0] : i32 from vector<1xi32>
    %eq3A_52 = arith.constant 0 : i32
    %eq3A_53 = arith.cmpi eq, %arg0, %eq3A_52 : i32
    %jit3A = arith.constant 0 : i32
    %select_n3A = arith.select %eq3A_53, %jit3A, %squeeze3A_51 : i32
    %eq3A_54 = arith.constant 0 : i32
    %eq3A_55 = arith.cmpi eq, %arg0, %eq3A_54 : i32
    %sub3A = arith.constant 2500 : i32
    %sub3A_56 = arith.subi %sub3A, %squeeze3A_51 : i32
    %select_n3A_57 = arith.select %eq3A_55, %squeeze3A, %sub3A_56 : i32
    %sub3A_58 = arith.subi %select_n3A_57, %arg1 : i32
    %add3A = arith.constant 15 : i32
    %add3A_59 = arith.addi %sub3A_58, %add3A : i32
    %shift_right_arithmetic3A = arith.constant 4 : i32
    %shift_right_arithmetic3A_60 = arith.shrsi %add3A_59, %shift_right_arithmetic3A : i32
    %add3A_61 = arith.constant 1 : i32
    %add3A_62 = arith.addi %shift_right_arithmetic3A_60, %add3A_61 : i32
    %shift_right_arithmetic3A_63 = arith.constant 1 : i32
    %shift_right_arithmetic3A_64 = arith.shrsi %add3A_62, %shift_right_arithmetic3A_63 : i32
    %barrier3A = arith.constant 0 : index
    tpu.barrier barrier_id(%barrier3A)
    %ge3A = arith.constant 1 : i32
    %ge3A_65 = arith.cmpi sge, %shift_right_arithmetic3A_60, %ge3A : i32
    %convert_element_type3A_66 = arith.extui %ge3A_65 : i1 to i32
    %cond3A_67 = arith.constant 0 : i32
    %cond3A_68 = arith.cmpi ne, %convert_element_type3A_66, %cond3A_67 : i32
    scf.if %cond3A_68 {
      %add3A_97 = arith.addi %select_n3A, %arg1 : i32
      %add3A_98 = arith.constant 0 : i32
      %add3A_99 = arith.addi %add3A_97, %add3A_98 : i32
      %mul3A_100 = arith.constant 128 : i32
      %mul3A_101 = arith.muli %add3A_99, %mul3A_100 : i32
      %dma_start3A = arith.constant 0 : i32
      %dma_start3A_102 = tpu.memref_slice %arg2[%mul3A_101, %dma_start3A] : memref<320000x128xf32, #tpu.memory_space<hbm>> -> memref<128x128xf32, #tpu.memory_space<hbm>>
      %dma_start3A_103 = arith.constant 0 : i32
      %dma_start3A_104 = tpu.memref_slice %arg2[%mul3A_101, %dma_start3A_103] : memref<320000x128xf32, #tpu.memory_space<hbm>> -> memref<128x128xf32, #tpu.memory_space<hbm>>
      tpu.enqueue_dma source(%dma_start3A_104 : memref<128x128xf32, #tpu.memory_space<hbm>>) target(%arg9 : memref<128x128xf32, #tpu.memory_space<vmem>>) target_semaphore(%arg17 : memref<!tpu.dma_semaphore, #tpu.memory_space<semaphore_mem>>)
      %dma_start3A_105 = tpu.memref_slice %arg3[%arg0, %mul3A_101] : memref<2x320000xi32, #tpu.memory_space<hbm>> -> memref<1x128xi32, #tpu.memory_space<hbm>>
      %dma_start3A_106 = tpu.memref_squeeze %dma_start3A_105 : memref<1x128xi32, #tpu.memory_space<hbm>> -> memref<128xi32, #tpu.memory_space<hbm>>
      %dma_start3A_107 = tpu.memref_slice %arg3[%arg0, %mul3A_101] : memref<2x320000xi32, #tpu.memory_space<hbm>> -> memref<1x128xi32, #tpu.memory_space<hbm>>
      %dma_start3A_108 = tpu.memref_squeeze %dma_start3A_107 : memref<1x128xi32, #tpu.memory_space<hbm>> -> memref<128xi32, #tpu.memory_space<hbm>>
      tpu.enqueue_dma source(%dma_start3A_108 : memref<128xi32, #tpu.memory_space<hbm>>) target(%arg11 : memref<128xi32, #tpu.memory_space<vmem>>) target_semaphore(%arg19 : memref<!tpu.dma_semaphore, #tpu.memory_space<semaphore_mem>>)
    } else {
    }
    %ge3A_69 = arith.constant 2 : i32
    %ge3A_70 = arith.cmpi sge, %shift_right_arithmetic3A_60, %ge3A_69 : i32
    %convert_element_type3A_71 = arith.extui %ge3A_70 : i1 to i32
    %cond3A_72 = arith.constant 0 : i32
    %cond3A_73 = arith.cmpi ne, %convert_element_type3A_71, %cond3A_72 : i32
    scf.if %cond3A_73 {
      %add3A_97 = arith.addi %select_n3A, %arg1 : i32
      %add3A_98 = arith.constant 16 : i32
      %add3A_99 = arith.addi %add3A_97, %add3A_98 : i32
      %mul3A_100 = arith.constant 128 : i32
      %mul3A_101 = arith.muli %add3A_99, %mul3A_100 : i32
      %dma_start3A = arith.constant 0 : i32
      %dma_start3A_102 = tpu.memref_slice %arg2[%mul3A_101, %dma_start3A] : memref<320000x128xf32, #tpu.memory_space<hbm>> -> memref<128x128xf32, #tpu.memory_space<hbm>>
      %dma_start3A_103 = arith.constant 0 : i32
      %dma_start3A_104 = tpu.memref_slice %arg2[%mul3A_101, %dma_start3A_103] : memref<320000x128xf32, #tpu.memory_space<hbm>> -> memref<128x128xf32, #tpu.memory_space<hbm>>
      tpu.enqueue_dma source(%dma_start3A_104 : memref<128x128xf32, #tpu.memory_space<hbm>>) target(%arg10 : memref<128x128xf32, #tpu.memory_space<vmem>>) target_semaphore(%arg18 : memref<!tpu.dma_semaphore, #tpu.memory_space<semaphore_mem>>)
      %dma_start3A_105 = tpu.memref_slice %arg3[%arg0, %mul3A_101] : memref<2x320000xi32, #tpu.memory_space<hbm>> -> memref<1x128xi32, #tpu.memory_space<hbm>>
      %dma_start3A_106 = tpu.memref_squeeze %dma_start3A_105 : memref<1x128xi32, #tpu.memory_space<hbm>> -> memref<128xi32, #tpu.memory_space<hbm>>
      %dma_start3A_107 = tpu.memref_slice %arg3[%arg0, %mul3A_101] : memref<2x320000xi32, #tpu.memory_space<hbm>> -> memref<1x128xi32, #tpu.memory_space<hbm>>
      %dma_start3A_108 = tpu.memref_squeeze %dma_start3A_107 : memref<1x128xi32, #tpu.memory_space<hbm>> -> memref<128xi32, #tpu.memory_space<hbm>>
      tpu.enqueue_dma source(%dma_start3A_108 : memref<128xi32, #tpu.memory_space<hbm>>) target(%arg12 : memref<128xi32, #tpu.memory_space<vmem>>) target_semaphore(%arg20 : memref<!tpu.dma_semaphore, #tpu.memory_space<semaphore_mem>>)
    } else {
    }
    %while3A = arith.constant 0 : i32
    %while3A_74 = arith.subi %shift_right_arithmetic3A_64, %while3A : i32
    %while3A_75 = arith.addi %while3A, %while3A_74 : i32
    %while3A_76 = arith.constant 1 : i32
    %while3A_77 = arith.divsi %while3A_74, %while3A_76 : i32
    %while3A_78 = arith.muli %while3A_77, %while3A_76 : i32
    %while3A_79 = arith.addi %while3A, %while3A_78 : i32
    %while3A_80 = arith.constant 1 : i32
    scf.for %while3A_97 = %while3A to %while3A_79 step %while3A_80  : i32 {
      %mul3A_98 = arith.constant 2 : i32
      %mul3A_99 = arith.muli %mul3A_98, %while3A_97 : i32
      %add3A_100 = arith.addi %select_n3A, %arg1 : i32
      %mul3A_101 = arith.constant 16 : i32
      %mul3A_102 = arith.muli %mul3A_101, %mul3A_99 : i32
      %add3A_103 = arith.addi %add3A_100, %mul3A_102 : i32
      %mul3A_104 = arith.constant 128 : i32
      %mul3A_105 = arith.muli %add3A_103, %mul3A_104 : i32
      %dma_wait3A = arith.constant 0 : i32
      %dma_wait3A_106 = tpu.memref_slice %arg2[%mul3A_105, %dma_wait3A] : memref<320000x128xf32, #tpu.memory_space<hbm>> -> memref<128x128xf32, #tpu.memory_space<hbm>>
      %dma_wait3A_107 = arith.constant 0 : i32
      %dma_wait3A_108 = tpu.memref_slice %arg2[%mul3A_105, %dma_wait3A_107] : memref<320000x128xf32, #tpu.memory_space<hbm>> -> memref<128x128xf32, #tpu.memory_space<hbm>>
      tpu.wait_dma2 semaphore(%arg17 : memref<!tpu.dma_semaphore, #tpu.memory_space<semaphore_mem>>) src(%dma_wait3A_108 : memref<128x128xf32, #tpu.memory_space<hbm>>) dst(%arg9 : memref<128x128xf32, #tpu.memory_space<vmem>>)
      %dma_wait3A_109 = tpu.memref_slice %arg3[%arg0, %mul3A_105] : memref<2x320000xi32, #tpu.memory_space<hbm>> -> memref<1x128xi32, #tpu.memory_space<hbm>>
      %dma_wait3A_110 = tpu.memref_squeeze %dma_wait3A_109 : memref<1x128xi32, #tpu.memory_space<hbm>> -> memref<128xi32, #tpu.memory_space<hbm>>
      %dma_wait3A_111 = tpu.memref_slice %arg3[%arg0, %mul3A_105] : memref<2x320000xi32, #tpu.memory_space<hbm>> -> memref<1x128xi32, #tpu.memory_space<hbm>>
      %dma_wait3A_112 = tpu.memref_squeeze %dma_wait3A_111 : memref<1x128xi32, #tpu.memory_space<hbm>> -> memref<128xi32, #tpu.memory_space<hbm>>
      tpu.wait_dma2 semaphore(%arg19 : memref<!tpu.dma_semaphore, #tpu.memory_space<semaphore_mem>>) src(%dma_wait3A_112 : memref<128xi32, #tpu.memory_space<hbm>>) dst(%arg11 : memref<128xi32, #tpu.memory_space<vmem>>)
      %dma_start3A = arith.constant 0 : i32
      %dma_start3A_113 = arith.constant 0 : i32
      %dma_start3A_114 = tpu.memref_slice %arg15[%dma_start3A, %dma_start3A_113] : memref<5008x128xf32, #tpu.memory_space<vmem_shared>> -> memref<5008x128xf32, #tpu.memory_space<vmem_shared>>
      tpu.enqueue_indirect_dma source(%arg9 : memref<128x128xf32, #tpu.memory_space<vmem>>) target(%dma_start3A_114 : memref<5008x128xf32, #tpu.memory_space<vmem_shared>>) offsets(%arg11 : memref<128xi32, #tpu.memory_space<vmem>>) semaphore(%arg21 : memref<!tpu.dma_semaphore, #tpu.memory_space<semaphore_mem>>) {add = true}
      %dma_start3A_115 = arith.constant 0 : i32
      %dma_start3A_116 = tpu.memref_slice %arg16[%dma_start3A_115] : memref<5008xf32, #tpu.memory_space<vmem_shared>> -> memref<5008xf32, #tpu.memory_space<vmem_shared>>
      tpu.enqueue_indirect_dma source(%arg13 : memref<128xf32, #tpu.memory_space<vmem>>) target(%dma_start3A_116 : memref<5008xf32, #tpu.memory_space<vmem_shared>>) offsets(%arg11 : memref<128xi32, #tpu.memory_space<vmem>>) semaphore(%arg23 : memref<!tpu.dma_semaphore, #tpu.memory_space<semaphore_mem>>) {add = true}
      %add3A_117 = arith.constant 1 : i32
      %add3A_118 = arith.addi %mul3A_99, %add3A_117 : i32
      %lt3A = arith.cmpi slt, %add3A_118, %shift_right_arithmetic3A_60 : i32
      %convert_element_type3A_119 = arith.extui %lt3A : i1 to i32
      %cond3A_120 = arith.constant 0 : i32
      %cond3A_121 = arith.cmpi ne, %convert_element_type3A_119, %cond3A_120 : i32
      scf.if %cond3A_121 {
        %add3A_139 = arith.constant 1 : i32
        %add3A_140 = arith.addi %mul3A_99, %add3A_139 : i32
        %add3A_141 = arith.addi %select_n3A, %arg1 : i32
        %mul3A_142 = arith.constant 16 : i32
        %mul3A_143 = arith.muli %mul3A_142, %add3A_140 : i32
        %add3A_144 = arith.addi %add3A_141, %mul3A_143 : i32
        %mul3A_145 = arith.constant 128 : i32
        %mul3A_146 = arith.muli %add3A_144, %mul3A_145 : i32
        %dma_wait3A_147 = arith.constant 0 : i32
        %dma_wait3A_148 = tpu.memref_slice %arg2[%mul3A_146, %dma_wait3A_147] : memref<320000x128xf32, #tpu.memory_space<hbm>> -> memref<128x128xf32, #tpu.memory_space<hbm>>
        %dma_wait3A_149 = arith.constant 0 : i32
        %dma_wait3A_150 = tpu.memref_slice %arg2[%mul3A_146, %dma_wait3A_149] : memref<320000x128xf32, #tpu.memory_space<hbm>> -> memref<128x128xf32, #tpu.memory_space<hbm>>
        tpu.wait_dma2 semaphore(%arg18 : memref<!tpu.dma_semaphore, #tpu.memory_space<semaphore_mem>>) src(%dma_wait3A_150 : memref<128x128xf32, #tpu.memory_space<hbm>>) dst(%arg10 : memref<128x128xf32, #tpu.memory_space<vmem>>)
        %dma_wait3A_151 = tpu.memref_slice %arg3[%arg0, %mul3A_146] : memref<2x320000xi32, #tpu.memory_space<hbm>> -> memref<1x128xi32, #tpu.memory_space<hbm>>
        %dma_wait3A_152 = tpu.memref_squeeze %dma_wait3A_151 : memref<1x128xi32, #tpu.memory_space<hbm>> -> memref<128xi32, #tpu.memory_space<hbm>>
        %dma_wait3A_153 = tpu.memref_slice %arg3[%arg0, %mul3A_146] : memref<2x320000xi32, #tpu.memory_space<hbm>> -> memref<1x128xi32, #tpu.memory_space<hbm>>
        %dma_wait3A_154 = tpu.memref_squeeze %dma_wait3A_153 : memref<1x128xi32, #tpu.memory_space<hbm>> -> memref<128xi32, #tpu.memory_space<hbm>>
        tpu.wait_dma2 semaphore(%arg20 : memref<!tpu.dma_semaphore, #tpu.memory_space<semaphore_mem>>) src(%dma_wait3A_154 : memref<128xi32, #tpu.memory_space<hbm>>) dst(%arg12 : memref<128xi32, #tpu.memory_space<vmem>>)
        %dma_start3A_155 = arith.constant 0 : i32
        %dma_start3A_156 = arith.constant 0 : i32
        %dma_start3A_157 = tpu.memref_slice %arg15[%dma_start3A_155, %dma_start3A_156] : memref<5008x128xf32, #tpu.memory_space<vmem_shared>> -> memref<5008x128xf32, #tpu.memory_space<vmem_shared>>
        tpu.enqueue_indirect_dma source(%arg10 : memref<128x128xf32, #tpu.memory_space<vmem>>) target(%dma_start3A_157 : memref<5008x128xf32, #tpu.memory_space<vmem_shared>>) offsets(%arg12 : memref<128xi32, #tpu.memory_space<vmem>>) semaphore(%arg22 : memref<!tpu.dma_semaphore, #tpu.memory_space<semaphore_mem>>) {add = true}
        %dma_start3A_158 = arith.constant 0 : i32
        %dma_start3A_159 = tpu.memref_slice %arg16[%dma_start3A_158] : memref<5008xf32, #tpu.memory_space<vmem_shared>> -> memref<5008xf32, #tpu.memory_space<vmem_shared>>
        tpu.enqueue_indirect_dma source(%arg13 : memref<128xf32, #tpu.memory_space<vmem>>) target(%dma_start3A_159 : memref<5008xf32, #tpu.memory_space<vmem_shared>>) offsets(%arg12 : memref<128xi32, #tpu.memory_space<vmem>>) semaphore(%arg24 : memref<!tpu.dma_semaphore, #tpu.memory_space<semaphore_mem>>) {add = true}
      } else {
      }
      %dma_wait3A_122 = arith.constant 0 : i32
      %dma_wait3A_123 = arith.constant 0 : i32
      %dma_wait3A_124 = tpu.memref_slice %arg15[%dma_wait3A_122, %dma_wait3A_123] : memref<5008x128xf32, #tpu.memory_space<vmem_shared>> -> memref<5008x128xf32, #tpu.memory_space<vmem_shared>>
      tpu.wait_indirect_dma semaphore(%arg21 : memref<!tpu.dma_semaphore, #tpu.memory_space<semaphore_mem>>) src(%arg9 : memref<128x128xf32, #tpu.memory_space<vmem>>) dst(%dma_wait3A_124 : memref<5008x128xf32, #tpu.memory_space<vmem_shared>>)
      %dma_wait3A_125 = arith.constant 0 : i32
      %dma_wait3A_126 = tpu.memref_slice %arg16[%dma_wait3A_125] : memref<5008xf32, #tpu.memory_space<vmem_shared>> -> memref<5008xf32, #tpu.memory_space<vmem_shared>>
      tpu.wait_indirect_dma semaphore(%arg23 : memref<!tpu.dma_semaphore, #tpu.memory_space<semaphore_mem>>) src(%arg13 : memref<128xf32, #tpu.memory_space<vmem>>) dst(%dma_wait3A_126 : memref<5008xf32, #tpu.memory_space<vmem_shared>>)
      %add3A_127 = arith.constant 2 : i32
      %add3A_128 = arith.addi %mul3A_99, %add3A_127 : i32
      %lt3A_129 = arith.cmpi slt, %add3A_128, %shift_right_arithmetic3A_60 : i32
      %convert_element_type3A_130 = arith.extui %lt3A_129 : i1 to i32
      %cond3A_131 = arith.constant 0 : i32
      %cond3A_132 = arith.cmpi ne, %convert_element_type3A_130, %cond3A_131 : i32
      scf.if %cond3A_132 {
        %add3A_139 = arith.constant 2 : i32
        %add3A_140 = arith.addi %mul3A_99, %add3A_139 : i32
        %add3A_141 = arith.addi %select_n3A, %arg1 : i32
        %mul3A_142 = arith.constant 16 : i32
        %mul3A_143 = arith.muli %mul3A_142, %add3A_140 : i32
        %add3A_144 = arith.addi %add3A_141, %mul3A_143 : i32
        %mul3A_145 = arith.constant 128 : i32
        %mul3A_146 = arith.muli %add3A_144, %mul3A_145 : i32
        %dma_start3A_147 = arith.constant 0 : i32
        %dma_start3A_148 = tpu.memref_slice %arg2[%mul3A_146, %dma_start3A_147] : memref<320000x128xf32, #tpu.memory_space<hbm>> -> memref<128x128xf32, #tpu.memory_space<hbm>>
        %dma_start3A_149 = arith.constant 0 : i32
        %dma_start3A_150 = tpu.memref_slice %arg2[%mul3A_146, %dma_start3A_149] : memref<320000x128xf32, #tpu.memory_space<hbm>> -> memref<128x128xf32, #tpu.memory_space<hbm>>
        tpu.enqueue_dma source(%dma_start3A_150 : memref<128x128xf32, #tpu.memory_space<hbm>>) target(%arg9 : memref<128x128xf32, #tpu.memory_space<vmem>>) target_semaphore(%arg17 : memref<!tpu.dma_semaphore, #tpu.memory_space<semaphore_mem>>)
        %dma_start3A_151 = tpu.memref_slice %arg3[%arg0, %mul3A_146] : memref<2x320000xi32, #tpu.memory_space<hbm>> -> memref<1x128xi32, #tpu.memory_space<hbm>>
        %dma_start3A_152 = tpu.memref_squeeze %dma_start3A_151 : memref<1x128xi32, #tpu.memory_space<hbm>> -> memref<128xi32, #tpu.memory_space<hbm>>
        %dma_start3A_153 = tpu.memref_slice %arg3[%arg0, %mul3A_146] : memref<2x320000xi32, #tpu.memory_space<hbm>> -> memref<1x128xi32, #tpu.memory_space<hbm>>
        %dma_start3A_154 = tpu.memref_squeeze %dma_start3A_153 : memref<1x128xi32, #tpu.memory_space<hbm>> -> memref<128xi32, #tpu.memory_space<hbm>>
        tpu.enqueue_dma source(%dma_start3A_154 : memref<128xi32, #tpu.memory_space<hbm>>) target(%arg11 : memref<128xi32, #tpu.memory_space<vmem>>) target_semaphore(%arg19 : memref<!tpu.dma_semaphore, #tpu.memory_space<semaphore_mem>>)
      } else {
      }
      %add3A_133 = arith.constant 1 : i32
      %add3A_134 = arith.addi %mul3A_99, %add3A_133 : i32
      %lt3A_135 = arith.cmpi slt, %add3A_134, %shift_right_arithmetic3A_60 : i32
      %convert_element_type3A_136 = arith.extui %lt3A_135 : i1 to i32
      %cond3A_137 = arith.constant 0 : i32
      %cond3A_138 = arith.cmpi ne, %convert_element_type3A_136, %cond3A_137 : i32
      scf.if %cond3A_138 {
        %dma_wait3A_139 = arith.constant 0 : i32
        %dma_wait3A_140 = arith.constant 0 : i32
        %dma_wait3A_141 = tpu.memref_slice %arg15[%dma_wait3A_139, %dma_wait3A_140] : memref<5008x128xf32, #tpu.memory_space<vmem_shared>> -> memref<5008x128xf32, #tpu.memory_space<vmem_shared>>
        tpu.wait_indirect_dma semaphore(%arg22 : memref<!tpu.dma_semaphore, #tpu.memory_space<semaphore_mem>>) src(%arg10 : memref<128x128xf32, #tpu.memory_space<vmem>>) dst(%dma_wait3A_141 : memref<5008x128xf32, #tpu.memory_space<vmem_shared>>)
        %dma_wait3A_142 = arith.constant 0 : i32
        %dma_wait3A_143 = tpu.memref_slice %arg16[%dma_wait3A_142] : memref<5008xf32, #tpu.memory_space<vmem_shared>> -> memref<5008xf32, #tpu.memory_space<vmem_shared>>
        tpu.wait_indirect_dma semaphore(%arg24 : memref<!tpu.dma_semaphore, #tpu.memory_space<semaphore_mem>>) src(%arg13 : memref<128xf32, #tpu.memory_space<vmem>>) dst(%dma_wait3A_143 : memref<5008xf32, #tpu.memory_space<vmem_shared>>)
        %add3A_144 = arith.constant 3 : i32
        %add3A_145 = arith.addi %mul3A_99, %add3A_144 : i32
        %lt3A_146 = arith.cmpi slt, %add3A_145, %shift_right_arithmetic3A_60 : i32
        %convert_element_type3A_147 = arith.extui %lt3A_146 : i1 to i32
        %cond3A_148 = arith.constant 0 : i32
        %cond3A_149 = arith.cmpi ne, %convert_element_type3A_147, %cond3A_148 : i32
        scf.if %cond3A_149 {
          %add3A_150 = arith.constant 3 : i32
          %add3A_151 = arith.addi %mul3A_99, %add3A_150 : i32
          %add3A_152 = arith.addi %select_n3A, %arg1 : i32
          %mul3A_153 = arith.constant 16 : i32
          %mul3A_154 = arith.muli %mul3A_153, %add3A_151 : i32
          %add3A_155 = arith.addi %add3A_152, %mul3A_154 : i32
          %mul3A_156 = arith.constant 128 : i32
          %mul3A_157 = arith.muli %add3A_155, %mul3A_156 : i32
          %dma_start3A_158 = arith.constant 0 : i32
          %dma_start3A_159 = tpu.memref_slice %arg2[%mul3A_157, %dma_start3A_158] : memref<320000x128xf32, #tpu.memory_space<hbm>> -> memref<128x128xf32, #tpu.memory_space<hbm>>
          %dma_start3A_160 = arith.constant 0 : i32
          %dma_start3A_161 = tpu.memref_slice %arg2[%mul3A_157, %dma_start3A_160] : memref<320000x128xf32, #tpu.memory_space<hbm>> -> memref<128x128xf32, #tpu.memory_space<hbm>>
          tpu.enqueue_dma source(%dma_start3A_161 : memref<128x128xf32, #tpu.memory_space<hbm>>) target(%arg10 : memref<128x128xf32, #tpu.memory_space<vmem>>) target_semaphore(%arg18 : memref<!tpu.dma_semaphore, #tpu.memory_space<semaphore_mem>>)
          %dma_start3A_162 = tpu.memref_slice %arg3[%arg0, %mul3A_157] : memref<2x320000xi32, #tpu.memory_space<hbm>> -> memref<1x128xi32, #tpu.memory_space<hbm>>
          %dma_start3A_163 = tpu.memref_squeeze %dma_start3A_162 : memref<1x128xi32, #tpu.memory_space<hbm>> -> memref<128xi32, #tpu.memory_space<hbm>>
          %dma_start3A_164 = tpu.memref_slice %arg3[%arg0, %mul3A_157] : memref<2x320000xi32, #tpu.memory_space<hbm>> -> memref<1x128xi32, #tpu.memory_space<hbm>>
          %dma_start3A_165 = tpu.memref_squeeze %dma_start3A_164 : memref<1x128xi32, #tpu.memory_space<hbm>> -> memref<128xi32, #tpu.memory_space<hbm>>
          tpu.enqueue_dma source(%dma_start3A_165 : memref<128xi32, #tpu.memory_space<hbm>>) target(%arg12 : memref<128xi32, #tpu.memory_space<vmem>>) target_semaphore(%arg20 : memref<!tpu.dma_semaphore, #tpu.memory_space<semaphore_mem>>)
        } else {
        }
      } else {
      }
    }
    %while3A_81 = arith.constant 1 : i32
    scf.for %while3A_97 = %while3A_79 to %while3A_75 step %while3A_81  : i32 {
      %mul3A_98 = arith.constant 2 : i32
      %mul3A_99 = arith.muli %mul3A_98, %while3A_97 : i32
      %add3A_100 = arith.addi %select_n3A, %arg1 : i32
      %mul3A_101 = arith.constant 16 : i32
      %mul3A_102 = arith.muli %mul3A_101, %mul3A_99 : i32
      %add3A_103 = arith.addi %add3A_100, %mul3A_102 : i32
      %mul3A_104 = arith.constant 128 : i32
      %mul3A_105 = arith.muli %add3A_103, %mul3A_104 : i32
      %dma_wait3A = arith.constant 0 : i32
      %dma_wait3A_106 = tpu.memref_slice %arg2[%mul3A_105, %dma_wait3A] : memref<320000x128xf32, #tpu.memory_space<hbm>> -> memref<128x128xf32, #tpu.memory_space<hbm>>
      %dma_wait3A_107 = arith.constant 0 : i32
      %dma_wait3A_108 = tpu.memref_slice %arg2[%mul3A_105, %dma_wait3A_107] : memref<320000x128xf32, #tpu.memory_space<hbm>> -> memref<128x128xf32, #tpu.memory_space<hbm>>
      tpu.wait_dma2 semaphore(%arg17 : memref<!tpu.dma_semaphore, #tpu.memory_space<semaphore_mem>>) src(%dma_wait3A_108 : memref<128x128xf32, #tpu.memory_space<hbm>>) dst(%arg9 : memref<128x128xf32, #tpu.memory_space<vmem>>)
      %dma_wait3A_109 = tpu.memref_slice %arg3[%arg0, %mul3A_105] : memref<2x320000xi32, #tpu.memory_space<hbm>> -> memref<1x128xi32, #tpu.memory_space<hbm>>
      %dma_wait3A_110 = tpu.memref_squeeze %dma_wait3A_109 : memref<1x128xi32, #tpu.memory_space<hbm>> -> memref<128xi32, #tpu.memory_space<hbm>>
      %dma_wait3A_111 = tpu.memref_slice %arg3[%arg0, %mul3A_105] : memref<2x320000xi32, #tpu.memory_space<hbm>> -> memref<1x128xi32, #tpu.memory_space<hbm>>
      %dma_wait3A_112 = tpu.memref_squeeze %dma_wait3A_111 : memref<1x128xi32, #tpu.memory_space<hbm>> -> memref<128xi32, #tpu.memory_space<hbm>>
      tpu.wait_dma2 semaphore(%arg19 : memref<!tpu.dma_semaphore, #tpu.memory_space<semaphore_mem>>) src(%dma_wait3A_112 : memref<128xi32, #tpu.memory_space<hbm>>) dst(%arg11 : memref<128xi32, #tpu.memory_space<vmem>>)
      %dma_start3A = arith.constant 0 : i32
      %dma_start3A_113 = arith.constant 0 : i32
      %dma_start3A_114 = tpu.memref_slice %arg15[%dma_start3A, %dma_start3A_113] : memref<5008x128xf32, #tpu.memory_space<vmem_shared>> -> memref<5008x128xf32, #tpu.memory_space<vmem_shared>>
      tpu.enqueue_indirect_dma source(%arg9 : memref<128x128xf32, #tpu.memory_space<vmem>>) target(%dma_start3A_114 : memref<5008x128xf32, #tpu.memory_space<vmem_shared>>) offsets(%arg11 : memref<128xi32, #tpu.memory_space<vmem>>) semaphore(%arg21 : memref<!tpu.dma_semaphore, #tpu.memory_space<semaphore_mem>>) {add = true}
      %dma_start3A_115 = arith.constant 0 : i32
      %dma_start3A_116 = tpu.memref_slice %arg16[%dma_start3A_115] : memref<5008xf32, #tpu.memory_space<vmem_shared>> -> memref<5008xf32, #tpu.memory_space<vmem_shared>>
      tpu.enqueue_indirect_dma source(%arg13 : memref<128xf32, #tpu.memory_space<vmem>>) target(%dma_start3A_116 : memref<5008xf32, #tpu.memory_space<vmem_shared>>) offsets(%arg11 : memref<128xi32, #tpu.memory_space<vmem>>) semaphore(%arg23 : memref<!tpu.dma_semaphore, #tpu.memory_space<semaphore_mem>>) {add = true}
      %add3A_117 = arith.constant 1 : i32
      %add3A_118 = arith.addi %mul3A_99, %add3A_117 : i32
      %lt3A = arith.cmpi slt, %add3A_118, %shift_right_arithmetic3A_60 : i32
      %convert_element_type3A_119 = arith.extui %lt3A : i1 to i32
      %cond3A_120 = arith.constant 0 : i32
      %cond3A_121 = arith.cmpi ne, %convert_element_type3A_119, %cond3A_120 : i32
      scf.if %cond3A_121 {
        %add3A_139 = arith.constant 1 : i32
        %add3A_140 = arith.addi %mul3A_99, %add3A_139 : i32
        %add3A_141 = arith.addi %select_n3A, %arg1 : i32
        %mul3A_142 = arith.constant 16 : i32
        %mul3A_143 = arith.muli %mul3A_142, %add3A_140 : i32
        %add3A_144 = arith.addi %add3A_141, %mul3A_143 : i32
        %mul3A_145 = arith.constant 128 : i32
        %mul3A_146 = arith.muli %add3A_144, %mul3A_145 : i32
        %dma_wait3A_147 = arith.constant 0 : i32
        %dma_wait3A_148 = tpu.memref_slice %arg2[%mul3A_146, %dma_wait3A_147] : memref<320000x128xf32, #tpu.memory_space<hbm>> -> memref<128x128xf32, #tpu.memory_space<hbm>>
        %dma_wait3A_149 = arith.constant 0 : i32
        %dma_wait3A_150 = tpu.memref_slice %arg2[%mul3A_146, %dma_wait3A_149] : memref<320000x128xf32, #tpu.memory_space<hbm>> -> memref<128x128xf32, #tpu.memory_space<hbm>>
        tpu.wait_dma2 semaphore(%arg18 : memref<!tpu.dma_semaphore, #tpu.memory_space<semaphore_mem>>) src(%dma_wait3A_150 : memref<128x128xf32, #tpu.memory_space<hbm>>) dst(%arg10 : memref<128x128xf32, #tpu.memory_space<vmem>>)
        %dma_wait3A_151 = tpu.memref_slice %arg3[%arg0, %mul3A_146] : memref<2x320000xi32, #tpu.memory_space<hbm>> -> memref<1x128xi32, #tpu.memory_space<hbm>>
        %dma_wait3A_152 = tpu.memref_squeeze %dma_wait3A_151 : memref<1x128xi32, #tpu.memory_space<hbm>> -> memref<128xi32, #tpu.memory_space<hbm>>
        %dma_wait3A_153 = tpu.memref_slice %arg3[%arg0, %mul3A_146] : memref<2x320000xi32, #tpu.memory_space<hbm>> -> memref<1x128xi32, #tpu.memory_space<hbm>>
        %dma_wait3A_154 = tpu.memref_squeeze %dma_wait3A_153 : memref<1x128xi32, #tpu.memory_space<hbm>> -> memref<128xi32, #tpu.memory_space<hbm>>
        tpu.wait_dma2 semaphore(%arg20 : memref<!tpu.dma_semaphore, #tpu.memory_space<semaphore_mem>>) src(%dma_wait3A_154 : memref<128xi32, #tpu.memory_space<hbm>>) dst(%arg12 : memref<128xi32, #tpu.memory_space<vmem>>)
        %dma_start3A_155 = arith.constant 0 : i32
        %dma_start3A_156 = arith.constant 0 : i32
        %dma_start3A_157 = tpu.memref_slice %arg15[%dma_start3A_155, %dma_start3A_156] : memref<5008x128xf32, #tpu.memory_space<vmem_shared>> -> memref<5008x128xf32, #tpu.memory_space<vmem_shared>>
        tpu.enqueue_indirect_dma source(%arg10 : memref<128x128xf32, #tpu.memory_space<vmem>>) target(%dma_start3A_157 : memref<5008x128xf32, #tpu.memory_space<vmem_shared>>) offsets(%arg12 : memref<128xi32, #tpu.memory_space<vmem>>) semaphore(%arg22 : memref<!tpu.dma_semaphore, #tpu.memory_space<semaphore_mem>>) {add = true}
        %dma_start3A_158 = arith.constant 0 : i32
        %dma_start3A_159 = tpu.memref_slice %arg16[%dma_start3A_158] : memref<5008xf32, #tpu.memory_space<vmem_shared>> -> memref<5008xf32, #tpu.memory_space<vmem_shared>>
        tpu.enqueue_indirect_dma source(%arg13 : memref<128xf32, #tpu.memory_space<vmem>>) target(%dma_start3A_159 : memref<5008xf32, #tpu.memory_space<vmem_shared>>) offsets(%arg12 : memref<128xi32, #tpu.memory_space<vmem>>) semaphore(%arg24 : memref<!tpu.dma_semaphore, #tpu.memory_space<semaphore_mem>>) {add = true}
      } else {
      }
      %dma_wait3A_122 = arith.constant 0 : i32
      %dma_wait3A_123 = arith.constant 0 : i32
      %dma_wait3A_124 = tpu.memref_slice %arg15[%dma_wait3A_122, %dma_wait3A_123] : memref<5008x128xf32, #tpu.memory_space<vmem_shared>> -> memref<5008x128xf32, #tpu.memory_space<vmem_shared>>
      tpu.wait_indirect_dma semaphore(%arg21 : memref<!tpu.dma_semaphore, #tpu.memory_space<semaphore_mem>>) src(%arg9 : memref<128x128xf32, #tpu.memory_space<vmem>>) dst(%dma_wait3A_124 : memref<5008x128xf32, #tpu.memory_space<vmem_shared>>)
      %dma_wait3A_125 = arith.constant 0 : i32
      %dma_wait3A_126 = tpu.memref_slice %arg16[%dma_wait3A_125] : memref<5008xf32, #tpu.memory_space<vmem_shared>> -> memref<5008xf32, #tpu.memory_space<vmem_shared>>
      tpu.wait_indirect_dma semaphore(%arg23 : memref<!tpu.dma_semaphore, #tpu.memory_space<semaphore_mem>>) src(%arg13 : memref<128xf32, #tpu.memory_space<vmem>>) dst(%dma_wait3A_126 : memref<5008xf32, #tpu.memory_space<vmem_shared>>)
      %add3A_127 = arith.constant 2 : i32
      %add3A_128 = arith.addi %mul3A_99, %add3A_127 : i32
      %lt3A_129 = arith.cmpi slt, %add3A_128, %shift_right_arithmetic3A_60 : i32
      %convert_element_type3A_130 = arith.extui %lt3A_129 : i1 to i32
      %cond3A_131 = arith.constant 0 : i32
      %cond3A_132 = arith.cmpi ne, %convert_element_type3A_130, %cond3A_131 : i32
      scf.if %cond3A_132 {
        %add3A_139 = arith.constant 2 : i32
        %add3A_140 = arith.addi %mul3A_99, %add3A_139 : i32
        %add3A_141 = arith.addi %select_n3A, %arg1 : i32
        %mul3A_142 = arith.constant 16 : i32
        %mul3A_143 = arith.muli %mul3A_142, %add3A_140 : i32
        %add3A_144 = arith.addi %add3A_141, %mul3A_143 : i32
        %mul3A_145 = arith.constant 128 : i32
        %mul3A_146 = arith.muli %add3A_144, %mul3A_145 : i32
        %dma_start3A_147 = arith.constant 0 : i32
        %dma_start3A_148 = tpu.memref_slice %arg2[%mul3A_146, %dma_start3A_147] : memref<320000x128xf32, #tpu.memory_space<hbm>> -> memref<128x128xf32, #tpu.memory_space<hbm>>
        %dma_start3A_149 = arith.constant 0 : i32
        %dma_start3A_150 = tpu.memref_slice %arg2[%mul3A_146, %dma_start3A_149] : memref<320000x128xf32, #tpu.memory_space<hbm>> -> memref<128x128xf32, #tpu.memory_space<hbm>>
        tpu.enqueue_dma source(%dma_start3A_150 : memref<128x128xf32, #tpu.memory_space<hbm>>) target(%arg9 : memref<128x128xf32, #tpu.memory_space<vmem>>) target_semaphore(%arg17 : memref<!tpu.dma_semaphore, #tpu.memory_space<semaphore_mem>>)
        %dma_start3A_151 = tpu.memref_slice %arg3[%arg0, %mul3A_146] : memref<2x320000xi32, #tpu.memory_space<hbm>> -> memref<1x128xi32, #tpu.memory_space<hbm>>
        %dma_start3A_152 = tpu.memref_squeeze %dma_start3A_151 : memref<1x128xi32, #tpu.memory_space<hbm>> -> memref<128xi32, #tpu.memory_space<hbm>>
        %dma_start3A_153 = tpu.memref_slice %arg3[%arg0, %mul3A_146] : memref<2x320000xi32, #tpu.memory_space<hbm>> -> memref<1x128xi32, #tpu.memory_space<hbm>>
        %dma_start3A_154 = tpu.memref_squeeze %dma_start3A_153 : memref<1x128xi32, #tpu.memory_space<hbm>> -> memref<128xi32, #tpu.memory_space<hbm>>
        tpu.enqueue_dma source(%dma_start3A_154 : memref<128xi32, #tpu.memory_space<hbm>>) target(%arg11 : memref<128xi32, #tpu.memory_space<vmem>>) target_semaphore(%arg19 : memref<!tpu.dma_semaphore, #tpu.memory_space<semaphore_mem>>)
      } else {
      }
      %add3A_133 = arith.constant 1 : i32
      %add3A_134 = arith.addi %mul3A_99, %add3A_133 : i32
      %lt3A_135 = arith.cmpi slt, %add3A_134, %shift_right_arithmetic3A_60 : i32
      %convert_element_type3A_136 = arith.extui %lt3A_135 : i1 to i32
      %cond3A_137 = arith.constant 0 : i32
      %cond3A_138 = arith.cmpi ne, %convert_element_type3A_136, %cond3A_137 : i32
      scf.if %cond3A_138 {
        %dma_wait3A_139 = arith.constant 0 : i32
        %dma_wait3A_140 = arith.constant 0 : i32
        %dma_wait3A_141 = tpu.memref_slice %arg15[%dma_wait3A_139, %dma_wait3A_140] : memref<5008x128xf32, #tpu.memory_space<vmem_shared>> -> memref<5008x128xf32, #tpu.memory_space<vmem_shared>>
        tpu.wait_indirect_dma semaphore(%arg22 : memref<!tpu.dma_semaphore, #tpu.memory_space<semaphore_mem>>) src(%arg10 : memref<128x128xf32, #tpu.memory_space<vmem>>) dst(%dma_wait3A_141 : memref<5008x128xf32, #tpu.memory_space<vmem_shared>>)
        %dma_wait3A_142 = arith.constant 0 : i32
        %dma_wait3A_143 = tpu.memref_slice %arg16[%dma_wait3A_142] : memref<5008xf32, #tpu.memory_space<vmem_shared>> -> memref<5008xf32, #tpu.memory_space<vmem_shared>>
        tpu.wait_indirect_dma semaphore(%arg24 : memref<!tpu.dma_semaphore, #tpu.memory_space<semaphore_mem>>) src(%arg13 : memref<128xf32, #tpu.memory_space<vmem>>) dst(%dma_wait3A_143 : memref<5008xf32, #tpu.memory_space<vmem_shared>>)
        %add3A_144 = arith.constant 3 : i32
        %add3A_145 = arith.addi %mul3A_99, %add3A_144 : i32
        %lt3A_146 = arith.cmpi slt, %add3A_145, %shift_right_arithmetic3A_60 : i32
        %convert_element_type3A_147 = arith.extui %lt3A_146 : i1 to i32
        %cond3A_148 = arith.constant 0 : i32
        %cond3A_149 = arith.cmpi ne, %convert_element_type3A_147, %cond3A_148 : i32
        scf.if %cond3A_149 {
          %add3A_150 = arith.constant 3 : i32
          %add3A_151 = arith.addi %mul3A_99, %add3A_150 : i32
          %add3A_152 = arith.addi %select_n3A, %arg1 : i32
          %mul3A_153 = arith.constant 16 : i32
          %mul3A_154 = arith.muli %mul3A_153, %add3A_151 : i32
          %add3A_155 = arith.addi %add3A_152, %mul3A_154 : i32
          %mul3A_156 = arith.constant 128 : i32
          %mul3A_157 = arith.muli %add3A_155, %mul3A_156 : i32
          %dma_start3A_158 = arith.constant 0 : i32
          %dma_start3A_159 = tpu.memref_slice %arg2[%mul3A_157, %dma_start3A_158] : memref<320000x128xf32, #tpu.memory_space<hbm>> -> memref<128x128xf32, #tpu.memory_space<hbm>>
          %dma_start3A_160 = arith.constant 0 : i32
          %dma_start3A_161 = tpu.memref_slice %arg2[%mul3A_157, %dma_start3A_160] : memref<320000x128xf32, #tpu.memory_space<hbm>> -> memref<128x128xf32, #tpu.memory_space<hbm>>
          tpu.enqueue_dma source(%dma_start3A_161 : memref<128x128xf32, #tpu.memory_space<hbm>>) target(%arg10 : memref<128x128xf32, #tpu.memory_space<vmem>>) target_semaphore(%arg18 : memref<!tpu.dma_semaphore, #tpu.memory_space<semaphore_mem>>)
          %dma_start3A_162 = tpu.memref_slice %arg3[%arg0, %mul3A_157] : memref<2x320000xi32, #tpu.memory_space<hbm>> -> memref<1x128xi32, #tpu.memory_space<hbm>>
          %dma_start3A_163 = tpu.memref_squeeze %dma_start3A_162 : memref<1x128xi32, #tpu.memory_space<hbm>> -> memref<128xi32, #tpu.memory_space<hbm>>
          %dma_start3A_164 = tpu.memref_slice %arg3[%arg0, %mul3A_157] : memref<2x320000xi32, #tpu.memory_space<hbm>> -> memref<1x128xi32, #tpu.memory_space<hbm>>
          %dma_start3A_165 = tpu.memref_squeeze %dma_start3A_164 : memref<1x128xi32, #tpu.memory_space<hbm>> -> memref<128xi32, #tpu.memory_space<hbm>>
          tpu.enqueue_dma source(%dma_start3A_165 : memref<128xi32, #tpu.memory_space<hbm>>) target(%arg12 : memref<128xi32, #tpu.memory_space<vmem>>) target_semaphore(%arg20 : memref<!tpu.dma_semaphore, #tpu.memory_space<semaphore_mem>>)
        } else {
        }
      } else {
      }
    }
    %barrier3A_82 = arith.constant 0 : index
    tpu.barrier barrier_id(%barrier3A_82)
    %mul3A = arith.constant 312 : i32
    %mul3A_83 = arith.muli %arg1, %mul3A : i32
    %mul3A_84 = arith.constant 5000 : i32
    %mul3A_85 = arith.muli %arg0, %mul3A_84 : i32
    %add3A_86 = arith.addi %mul3A_85, %mul3A_83 : i32
    "tpu.region"() ({
      %run_scoped3A = tpu.sem_alloc : memref<!tpu.dma_semaphore, #tpu.memory_space<semaphore_mem>>
      %dma_start3A = arith.constant 0 : i32
      %dma_start3A_97 = tpu.memref_slice %arg7[%add3A_86, %dma_start3A] : memref<10000x128xf32, #tpu.memory_space<hbm>> -> memref<312x128xf32, #tpu.memory_space<hbm>>
      %dma_start3A_98 = arith.constant 0 : i32
      %dma_start3A_99 = tpu.memref_slice %arg15[%mul3A_83, %dma_start3A_98] : memref<5008x128xf32, #tpu.memory_space<vmem_shared>> -> memref<312x128xf32, #tpu.memory_space<vmem_shared>>
      tpu.enqueue_dma source(%dma_start3A_99 : memref<312x128xf32, #tpu.memory_space<vmem_shared>>) target(%dma_start3A_97 : memref<312x128xf32, #tpu.memory_space<hbm>>) target_semaphore(%run_scoped3A : memref<!tpu.dma_semaphore, #tpu.memory_space<semaphore_mem>>)
      %dma_wait3A = arith.constant 0 : i32
      %dma_wait3A_100 = tpu.memref_slice %arg7[%add3A_86, %dma_wait3A] : memref<10000x128xf32, #tpu.memory_space<hbm>> -> memref<312x128xf32, #tpu.memory_space<hbm>>
      %dma_wait3A_101 = arith.constant 0 : i32
      %dma_wait3A_102 = tpu.memref_slice %arg15[%mul3A_83, %dma_wait3A_101] : memref<5008x128xf32, #tpu.memory_space<vmem_shared>> -> memref<312x128xf32, #tpu.memory_space<vmem_shared>>
      tpu.wait_dma2 semaphore(%run_scoped3A : memref<!tpu.dma_semaphore, #tpu.memory_space<semaphore_mem>>) src(%dma_wait3A_102 : memref<312x128xf32, #tpu.memory_space<vmem_shared>>) dst(%dma_wait3A_100 : memref<312x128xf32, #tpu.memory_space<hbm>>)
      tpu.yield
    }) : () -> ()
    %eq3A_87 = arith.constant 15 : i32
    %eq3A_88 = arith.cmpi eq, %arg1, %eq3A_87 : i32
    %convert_element_type3A_89 = arith.extui %eq3A_88 : i1 to i32
    %cond3A_90 = arith.constant 0 : i32
    %cond3A_91 = arith.cmpi ne, %convert_element_type3A_89, %cond3A_90 : i32
    scf.if %cond3A_91 {
      %mul3A_97 = arith.constant 5000 : i32
      %mul3A_98 = arith.muli %arg0, %mul3A_97 : i32
      %add3A_99 = arith.constant 4992 : i32
      %add3A_100 = arith.addi %mul3A_98, %add3A_99 : i32
      "tpu.region"() ({
        %run_scoped3A = tpu.sem_alloc : memref<!tpu.dma_semaphore, #tpu.memory_space<semaphore_mem>>
        %dma_start3A = arith.constant 0 : i32
        %dma_start3A_101 = tpu.memref_slice %arg7[%add3A_100, %dma_start3A] : memref<10000x128xf32, #tpu.memory_space<hbm>> -> memref<8x128xf32, #tpu.memory_space<hbm>>
        %dma_start3A_102 = arith.constant 4992 : i32
        %dma_start3A_103 = arith.constant 0 : i32
        %dma_start3A_104 = tpu.memref_slice %arg15[%dma_start3A_102, %dma_start3A_103] : memref<5008x128xf32, #tpu.memory_space<vmem_shared>> -> memref<8x128xf32, #tpu.memory_space<vmem_shared>>
        tpu.enqueue_dma source(%dma_start3A_104 : memref<8x128xf32, #tpu.memory_space<vmem_shared>>) target(%dma_start3A_101 : memref<8x128xf32, #tpu.memory_space<hbm>>) target_semaphore(%run_scoped3A : memref<!tpu.dma_semaphore, #tpu.memory_space<semaphore_mem>>)
        %dma_wait3A = arith.constant 0 : i32
        %dma_wait3A_105 = tpu.memref_slice %arg7[%add3A_100, %dma_wait3A] : memref<10000x128xf32, #tpu.memory_space<hbm>> -> memref<8x128xf32, #tpu.memory_space<hbm>>
        %dma_wait3A_106 = arith.constant 4992 : i32
        %dma_wait3A_107 = arith.constant 0 : i32
        %dma_wait3A_108 = tpu.memref_slice %arg15[%dma_wait3A_106, %dma_wait3A_107] : memref<5008x128xf32, #tpu.memory_space<vmem_shared>> -> memref<8x128xf32, #tpu.memory_space<vmem_shared>>
        tpu.wait_dma2 semaphore(%run_scoped3A : memref<!tpu.dma_semaphore, #tpu.memory_space<semaphore_mem>>) src(%dma_wait3A_108 : memref<8x128xf32, #tpu.memory_space<vmem_shared>>) dst(%dma_wait3A_105 : memref<8x128xf32, #tpu.memory_space<hbm>>)
        tpu.yield
      }) : () -> ()
    } else {
    }
    %eq3A_92 = arith.constant 0 : i32
    %eq3A_93 = arith.cmpi eq, %arg1, %eq3A_92 : i32
    %convert_element_type3A_94 = arith.extui %eq3A_93 : i1 to i32
    %cond3A_95 = arith.constant 0 : i32
    %cond3A_96 = arith.cmpi ne, %convert_element_type3A_94, %cond3A_95 : i32
    scf.if %cond3A_96 {
      "tpu.region"() ({
        %run_scoped3A = tpu.sem_alloc : memref<!tpu.dma_semaphore, #tpu.memory_space<semaphore_mem>>
        %dma_start3A = arith.constant 0 : i32
        %dma_start3A_97 = tpu.memref_slice %arg8[%arg0, %dma_start3A] : memref<2x5008xf32, #tpu.memory_space<hbm>> -> memref<1x5008xf32, #tpu.memory_space<hbm>>
        %dma_start3A_98 = tpu.memref_squeeze %dma_start3A_97 : memref<1x5008xf32, #tpu.memory_space<hbm>> -> memref<5008xf32, #tpu.memory_space<hbm>>
        tpu.enqueue_dma source(%arg16 : memref<5008xf32, #tpu.memory_space<vmem_shared>>) target(%dma_start3A_98 : memref<5008xf32, #tpu.memory_space<hbm>>) target_semaphore(%run_scoped3A : memref<!tpu.dma_semaphore, #tpu.memory_space<semaphore_mem>>)
        %dma_wait3A = arith.constant 0 : i32
        %dma_wait3A_99 = tpu.memref_slice %arg8[%arg0, %dma_wait3A] : memref<2x5008xf32, #tpu.memory_space<hbm>> -> memref<1x5008xf32, #tpu.memory_space<hbm>>
        %dma_wait3A_100 = tpu.memref_squeeze %dma_wait3A_99 : memref<1x5008xf32, #tpu.memory_space<hbm>> -> memref<5008xf32, #tpu.memory_space<hbm>>
        tpu.wait_dma2 semaphore(%run_scoped3A : memref<!tpu.dma_semaphore, #tpu.memory_space<semaphore_mem>>) src(%arg16 : memref<5008xf32, #tpu.memory_space<vmem_shared>>) dst(%dma_wait3A_100 : memref<5008xf32, #tpu.memory_space<hbm>>)
        tpu.yield
      }) : () -> ()
    } else {
    }
    return
  }
}

module attributes {stable_mosaic.version = 14 : i64} {
  func.func @divide(%arg0: i32, %arg1: memref<2000x128xf32, #tpu.memory_space<vmem>>, %arg2: memref<2000x1xf32, #tpu.memory_space<vmem>>, %arg3: memref<2000x128xf32, #tpu.memory_space<vmem>>) attributes {dimension_semantics = [#tpu.dimension_semantics<arbitrary>], iteration_bounds = array<i64: 5>, scalar_prefetch = 0 : i64, scratch_operands = 0 : i64, tpu.core_type = #tpu.core_type<tc>, window_params = [{transform_indices = @transform_0, window_bounds = array<i64: 2000, 128>}, {transform_indices = @transform_1, window_bounds = array<i64: 2000, 1>}, {transform_indices = @transform_2, window_bounds = array<i64: 2000, 128>}]} {
    %get3A = arith.constant 0 : index
    %get3A_0 = arith.constant 0 : index
    %get3A_1 = vector.load %arg1[%get3A, %get3A_0] : memref<2000x128xf32, #tpu.memory_space<vmem>>, vector<2000x128xf32>
    %get3A_2 = arith.constant 0 : index
    %get3A_3 = arith.constant 0 : index
    %get3A_4 = vector.load %arg2[%get3A_2, %get3A_3] : memref<2000x1xf32, #tpu.memory_space<vmem>>, vector<2000x1xf32>
    %max3A = arith.constant 1.000000e+00 : f32
    %max3A_5 = vector.broadcast %max3A : f32 to vector<2000x1xf32>
    %max3A_6 = arith.maximumf %get3A_4, %max3A_5 : vector<2000x1xf32>
    %div3A = arith.constant 1.000000e+00 : f32
    %div3A_7 = vector.broadcast %div3A : f32 to vector<2000x1xf32>
    %div3A_8 = arith.divf %div3A_7, %max3A_6 : vector<2000x1xf32>
    %mul3A = vector.broadcast %div3A_8 : vector<2000x1xf32> to vector<2000x128xf32>
    %mul3A_9 = arith.mulf %get3A_1, %mul3A : vector<2000x128xf32>
    %swap3A = arith.constant 0 : index
    %swap3A_10 = arith.constant 0 : index
    %swap3A_11 = vector.load %arg3[%swap3A, %swap3A_10] : memref<2000x128xf32, #tpu.memory_space<vmem>>, vector<2000x128xf32>
    tpu.vector_store %arg3[%swap3A, %swap3A_10], %mul3A_9 {strides = array<i32>} : memref<2000x128xf32, #tpu.memory_space<vmem>>, vector<2000x128xf32>,
    return
  }
  func.func @transform_0(%arg0: i32) -> (i32, i32) {
    %c0_i32 = arith.constant 0 : i32
    %c0_i32_0 = arith.constant 0 : i32
    return %arg0, %c0_i32 : i32, i32
  }
  func.func @transform_1(%arg0: i32) -> (i32, i32) {
    %c0_i32 = arith.constant 0 : i32
    %c0_i32_0 = arith.constant 0 : i32
    return %arg0, %c0_i32 : i32, i32
  }
  func.func @transform_2(%arg0: i32) -> (i32, i32) {
    %c0_i32 = arith.constant 0 : i32
    %c0_i32_0 = arith.constant 0 : i32
    return %arg0, %c0_i32 : i32, i32
  }
}

</mosaic_0001>

<sc_bundles>
// kernel: kernel.4.cloned.1.call-start
scs
__scs_entry_jumppad:
0x0: {  	(pc) =	sbr.rel $0x88, $3  }
0x1: {  	(tag) =	ssettag $0x0;
	lr =	simm.s32 $0x1  }
0x2: {  	[smem:$0x3F9F] =	sst lr;
	_ =	strace $0xD0000000  }
0x3: {  	_ = 	snop  }
0x4: {  	_ = 	snop  }
0x5: {  	_ = 	snop  }
0x6: {  	_ = 	snop  }
0x7: {  	_ = 	snop  }
__scs_overlays_trampoline_lowered:
0x8: {  	[smem:$0x3FAE] =	sst s0  }
0x9: {  	[smem:$0x3FAF] =	sst s1  }
0xa: {  	[smem:$0x3FB0] =	sst s2  }
0xb: {  	[smem:$0x3FB1] =	sst s3  }
0xc: {  	[smem:$0x3FB2] =	sst s4  }
0xd: {  	[smem:$0x3FB3] =	sst s5  }
0xe: {  	[smem:$0x3FB4] =	sst s6  }
0xf: {  	[smem:$0x3FB5] =	sst s7  }
0x10: {  	[smem:$0x3FB6] =	sst s8  }
0x11: {  	[smem:$0x3FB7] =	sst s9;
	s0 =	simm.s32 @!p0 $0x0  }
0x12: {  	s1 =	sld [smem:$0x3F9D];
	s0 =	simm.s32 @p0 $0x1  }
0x13: {  	[smem:$0x3FB8] =	sst s0;
	s0 =	simm.s32 @!p1 $0x0  }
0x14: {  	s2 =	sld [smem:$0x3F9C];
	s0 =	simm.s32 @p1 $0x1  }
0x15: {  	[smem:$0x3FB9] =	sst s0;
	s0 =	simm.s32 @!p2 $0x0  }
0x16: {  	s3 =	sld [smem:$0x3FDB];
	s0 =	simm.s32 @p2 $0x1  }
0x17: {  	s4 =	simm.s32 $0x1BF5;
	[smem:$0x3FBB] =	sst s0  }
0x18: {  	s0 =	sld [smem:$0x3F9E];
	_ =	swait.ge [sflag:s4], $0x0  }
0x19: {  	s7 =	sld [smem:$0x3F9F]  }
0x1a: {  	s8 =	sadd.s32 $0xFFFFE003, lr  }
0x1b: {  	s9 =	sadd.s32 $0xFFFFFEF7, lr;
	s5 =	simm.s32 $0xFFFFFFFF;
	p2 =	slt.u32 s8, $0xFFFFF086  }
0x1c: {  	p1 =	slt.u32 s9, $0xF7A;
	s5 =	simm.s32 @!p2 $0x0  }
0x1d: {  	s5 =	simm.s32 @p1 $0x1;
	p0 =	seq.s32 s7, s2  }
0x1e: {  	s7 =	smul.u32 @!p0 $0xF7A, s2;
	p2 =	seq.s32 @!p0 s5, $0x0  }
0x1f: {  	s9 =	smul.u32 $0xF7A, s1;
	s8 =	simm.s32 @!p0 $0x1BF5;
	p2 =	por !p2, p0  }
0x20: {  	[sflag:s8] =	ssyncset.s32 @!p0 $0xFFFFF086;
	s6 =	sadd.s32 @!p0 s3, s7;
	s7 =	simm.s32 @!p0 $0x108  }
0x21: {  	s3 =	sadd.s32 s3, s9;
	s6 =	sadd.s32 @!p0 $0x88, s6;
	s7 =	simm.s32 @p2 $0x1082  }
0x22: {  	[simem:s7], [sflag:s8] =	dma.local @!p0 [hbm:s6], $0xF7A  }
0x23: {  	s9 =	sor.u32 $0xD0000000, s2;
	s6 =	simm.s32 $0x108;
	_ =	swait.ge @!p0 [sflag:s8], $0x0  }
0x24: {  	s3 =	sadd.s32 $0x88, s3;
	s6 =	simm.s32 @!p1 $0x1082;
	[sflag:s4] =	ssyncset.s32 $0xFFFFF086  }
0x25: {  	[simem:s6], [sflag:s4] =	dma.local [hbm:s3], $0xF7A  }
0x26: {  	[smem:$0x3F9F] =	sst s1;
	(tag) =	ssettag s2;
	_ =	strace s9  }
0x27: {  	s1 =	sld [smem:$0x3FAF]  }
0x28: {  	s2 =	sld [smem:$0x3FB0]  }
0x29: {  	s4 =	sld [smem:$0x3FB2]  }
0x2a: {  	p0 =	seq.s32 s5, $0x0;
	s5 =	sld [smem:$0x3FB3]  }
0x2b: {  	s6 =	sld [smem:$0x3FB4]  }
0x2c: {  	s7 =	sld [smem:$0x3FB5]  }
0x2d: {  	s3 =	simm.s32 $0x108;
	s8 =	sld [smem:$0x3FB6]  }
0x2e: {  	s3 =	simm.s32 @!p0 $0x1082;
	s9 =	sld [smem:$0x3FB7]  }
0x2f: {  	lr =	sadd.s32 s0, s3;
	s0 =	sld [smem:$0x3FAE]  }
0x30: {  	s3 =	sld [smem:$0x3FB1]  }
0x31: {  	[smem:$0x3FBA] =	sst s10  }
0x32: {  	s10 =	sld [smem:$0x3FB8];
	_ =	sdelay $0x3  }
0x33: {  	p0 =	seq.s32 s10, $0x1;
	s10 =	sld [smem:$0x3FBA];
	_ =	sdelay $0x3  }
0x34: {  	[smem:$0x3FBA] =	sst s10  }
0x35: {  	s10 =	sld [smem:$0x3FB9];
	_ =	sdelay $0x3  }
0x36: {  	p1 =	seq.s32 s10, $0x1;
	s10 =	sld [smem:$0x3FBA];
	_ =	sdelay $0x3  }
0x37: {  	[smem:$0x3FBA] =	sst s10  }
0x38: {  	s10 =	sld [smem:$0x3FBB]  }
0x39: {  	_ = 	snop;
	(pc) =	sbr.ind lr, $3  }
0x3a: {  	_ = 	snop  }
0x3b: {  	_ = 	snop  }
0x3c: {  	p2 =	seq.s32 s10, $0x1;
	s10 =	sld [smem:$0x3FBA]  }
0x3d: {  	_ =	shalt  }
0x3e: {  	_ =	shalt  }
0x3f: {  	_ =	shalt  }
0x40: {  	_ =	shalt  }
0x41: {  	_ =	shalt  }
0x42: {  	_ =	shalt  }
0x43: {  	_ =	shalt  }
0x44: {  	_ =	shalt  }
0x45: {  	_ =	shalt  }
0x46: {  	_ =	shalt  }
0x47: {  	_ =	shalt  }
0x48: {  	_ =	shalt  }
0x49: {  	_ =	shalt  }
0x4a: {  	_ =	shalt  }
0x4b: {  	_ =	shalt  }
0x4c: {  	_ =	shalt  }
0x4d: {  	_ =	shalt  }
0x4e: {  	_ =	shalt  }
0x4f: {  	_ =	shalt  }
0x50: {  	_ =	shalt  }
0x51: {  	_ =	shalt  }
0x52: {  	_ =	shalt  }
0x53: {  	_ =	shalt  }
0x54: {  	_ =	shalt  }
0x55: {  	_ =	shalt  }
0x56: {  	_ =	shalt  }
0x57: {  	_ =	shalt  }
0x58: {  	_ =	shalt  }
0x59: {  	_ =	shalt  }
0x5a: {  	_ =	shalt  }
0x5b: {  	_ =	shalt  }
0x5c: {  	_ =	shalt  }
0x5d: {  	_ =	shalt  }
0x5e: {  	_ =	shalt  }
0x5f: {  	_ =	shalt  }
0x60: {  	_ =	shalt  }
0x61: {  	_ =	shalt  }
0x62: {  	_ =	shalt  }
0x63: {  	_ =	shalt  }
0x64: {  	_ =	shalt  }
0x65: {  	_ =	shalt  }
0x66: {  	_ =	shalt  }
0x67: {  	_ =	shalt  }
0x68: {  	_ =	shalt  }
0x69: {  	_ =	shalt  }
0x6a: {  	_ =	shalt  }
0x6b: {  	_ =	shalt  }
0x6c: {  	_ =	shalt  }
0x6d: {  	_ =	shalt  }
0x6e: {  	_ =	shalt  }
0x6f: {  	_ =	shalt  }
0x70: {  	_ =	shalt  }
0x71: {  	_ =	shalt  }
0x72: {  	_ =	shalt  }
0x73: {  	_ =	shalt  }
0x74: {  	_ =	shalt  }
0x75: {  	_ =	shalt  }
0x76: {  	_ =	shalt  }
0x77: {  	_ =	shalt  }
0x78: {  	_ =	shalt  }
0x79: {  	_ =	shalt  }
0x7a: {  	_ =	shalt  }
0x7b: {  	_ =	shalt  }
0x7c: {  	_ =	shalt  }
0x7d: {  	_ =	shalt  }
0x7e: {  	_ =	shalt  }
0x7f: {  	_ =	shalt  }
0x80: {  	_ =	shalt  }
0x81: {  	_ =	shalt  }
0x82: {  	_ =	shalt  }
0x83: {  	_ =	shalt  }
0x84: {  	_ =	shalt  }
0x85: {  	_ =	shalt  }
0x86: {  	_ =	shalt  }
0x87: {  	_ =	shalt  }
.Lfunc_end0:
.L_simem_size_0:
called_computation_lowered:
.L_overlay_start_0:
0x88: {  	s2 =	sld [smem:$0x3FD9]  }
0x89: {  	s3 =	sld [smem:$0x3FFE];
	_ =	sdelay $0x1  }
0x8a: {  	s1 =	srdreg.scid  }
0x8b: {  	s0 =	sand.u32 $0x1, s1  }
0x8c: {  	s17 =	sshll.u32 s0, $0xA;
	s2 =	sadd.s32 s3, s2  }
0x8d: {  	s2 =	sadd.s32 s2, s17  }
0x8e: {  	[smem:$0x3FC6] =	sst s2  }
0x8f: {  	_ = 	snop  }
0x90: {  	s2 =	sld [smem:$0x3FC9]  }
0x91: {  	s18 =	sld [smem:$0x3FD0];
	(tm) =	ssettm $0x1  }
0x92: {  	s4 =	sld [smem:$0x3FFB];
	_ =	sdelay $0x3  }
0x93: {  	_ =	strace s4  }
0x94: {  	s4 =	sld [smem:$0x3FFC];
	_ =	sdelay $0x3  }
0x95: {  	_ =	strace s4  }
0x96: {  	s4 =	sld [smem:$0x3FFD];
	_ =	sdelay $0x3  }
0x97: {  	_ =	strace s4  }
0x98: {  	_ =	strace $0x8FFFFFFF  }
0x99: {  	s19 =	sld [smem:$0x3FDB];
	_ =	sdelay $0x1  }
0x9a: {  	s5 =	simm.s32 $_scs_section_size  }
0x9b: {  	s6 =	simm.s32 $_size__tile_overlayer_lowered;
	s7 =	simm.s32 $_tile_overlayer_lowered  }
0x9c: {  	s22 =	simm.s32 $0x1BFF;
	s21 =	sshll.u32 s7, $0x1;
	s4 =	sadd.s32 s5, s19  }
0x9d: {  	s8 =	simm.s32 $0x0;
	s20 =	sshll.u32 s6, $0x1;
	s6 =	sadd.s32 s21, s4  }
0x9e: {  	[timem:s8], [sflag:s22] =	dma.local [hbm:s6], s20  }
0x9f: {  	_ =	swait.ge [sflag:s22], s20  }
0xa0: {  	s5 =	ssub.s32 $0x0, s20;
	[sflag:s22] =	ssyncset.done $0x0  }
0xa1: {  	[sflag:s22] =	ssyncadd.s32 s5;
	_ =	sdelay $0x1  }
0xa2: {  	s23 =	simm.s32 $0x1B8B  }
0xa3: {  	_ =	swait.ge [sflag:s23], $0x1  }
0xa4: {  	[sflag:s23] =	ssyncset.done $0x0  }
0xa5: {  	s25 =	simm.s32 $0x1B8E;
	s24 =	sld [smem:$0x3FFE];
	[sflag:s23] =	ssyncadd.s32 $0xFFFFFFFF  }
0xa6: {  	s26 =	simm.s32 $execute0_lowered;
	[smem:$0x3FD2] =	sst s25  }
0xa7: {  	s6 =	sshll.u32 s26, $0x1;
	_ =	strace $0x80000046;
	[dreg:$0x1] =	wrdreg $0xFFFFFFFF  }
0xa8: {  	s28 =	simm.s32 $_size_execute0_lowered;
	s4 =	sadd.s32 s4, s6;
	[dreg:$0x0] =	wrdreg $0x0  }
0xa9: {  	s6 =	sshll.u32 s28, $0x1;
	[dreg:$0x2] =	wrdreg s4  }
0xaa: {  	[dreg:$0x3] =	wrdreg s6  }
0xab: {  	[dreg:$0x4] =	wrdreg $0xC0  }
0xac: {  	_ =	task [dreg:s8], $0x5FFFF  }
0xad: {  	[dreg:$0x1] =	wrdreg $0xFFFFFFFF  }
0xae: {  	[dreg:$0x0] =	wrdreg $0x60  }
0xaf: {  	[dreg:$0x2] =	wrdreg s2  }
0xb0: {  	[dreg:$0x3] =	wrdreg s24  }
0xb1: {  	[dreg:$0x4] =	wrdreg s18  }
0xb2: {  	[dreg:$0x5] =	wrdreg $0x82000  }
0xb3: {  	[dreg:$0x6] =	wrdreg $0x11E800  }
0xb4: {  	[dreg:$0x7] =	wrdreg $0x9  }
0xb5: {  	_ =	task.clear_ibuf [dreg:s8], $0x8FFFF;
	_ =	strace $0x90000046  }
0xb6: {  	s29 =	simm.s32 $0x9;
	_ =	strace $0x80000048  }
0xb7: {  	_ =	swait.ge [sflag:s29], $0x1  }
0xb8: {  	[sflag:s29] =	ssyncadd.s32 $0xFFFFFFFF  }
0xb9: {  	_ =	strace $0x90000048  }
0xba: {  	_ =	sfence  }
0xbb: {  	s30 =	sld [smem:$0x0];
	_ =	sdelay $0x2  }
0xbc: {  	s31 =	sshll.u32 s1, $0xD;
	s1 =	sshrl.u32 s1, $0x2  }
0xbd: {  	s3 =	sand.u32 $0x4000, s31;
	s1 =	sadd.s32 s1, s30  }
0xbe: {  	s0 =	sor.u32 s3, s0;
	s1 =	sshll.u32 s1, $0x11  }
0xbf: {  	s0 =	sor.u32 s1, s0  }
0xc0: {  	s0 =	sadd.s32 $0x8F2B, s0  }
0xc1: {  	[sflag:s0] =	ssyncadd.remote.s32 $0x1  }
0xc2: {  	_ =	sfence.sel $0xFFFF  }
0xc3: {  	[dreg:$0x0] =	wrdreg $0xFFFFFFFF;
	(pc) =	sbr.abs _section_cstart, $3  }
0xc4: {  	[dreg:$0x1] =	wrdreg $0xFFFFFFFF  }
0xc5: {  	_ =	task.clear_ibuf [dreg:s8], $0x2FFFF;
	_ =	strace $0x9FFFFFFF  }
0xc6: {  	(tm) =	ssettm $0x7FFFFFFF  }
0xc7: {  	_ =	shalt  }
tec
execute0_lowered:
.L_overlay_start_1:
0x0: {  	(tag) =	ssettag $0x1  }
0x1: {  	s16 =	rddreg [dreg:$0x0]  }
0x2: {  	s0 =	rddreg [dreg:$0x1]  }
0x3: {  	s1 =	rddreg [dreg:$0x2]  }
0x4: {  	s2 =	rddreg [dreg:$0x3]  }
0x5: {  	s3 =	rddreg [dreg:$0x4];
	s4 =	simm.s32 $0x0;
	s17 =	srdreg.scid  }
0x6: {  	s7 =	stileid.u32;
	s26 =	simm.s32 $0x8100;
	s28 =	simm.s32 $0x1  }
0x7: {  	s29 =	simm.s32 $0x3;
	s30 =	simm.s32 $0x80;
	s31 =	simm.s32 $0x5  }
0x8: {  	[smem:$0x7FF] =	sst s4;
	s5 =	sadd.s32 $0x1200, s0;
	s6 =	sadd.s32 $0x1000, s0  }
0x9: {  	s8 =	sadd.s32 $0x15000, s0;
	_ =	strace $0x80000047;
	[dreg:$0x8] =	wrdreg s6  }
0xa: {  	s18 =	smul.u32 $0x27000, s7;
	s9 =	sadd.s32 $0x14C00, s0;
	[dreg:$0x9] =	wrdreg s8  }
0xb: {  	s13 =	smul.u32 $0x1380, s7;
	s21 =	sxor.u32 $0xF, s7;
	[dreg:$0xa] =	wrdreg s9  }
0xc: {  	s24 =	sadd.s32 $0x18000, s16;
	p0 =	sne.s32 s7, $0x0;
	[dreg:$0xb] =	wrdreg s21  }
0xd: {  	p2 =	seq.s32 s7, $0x0;
	s6 =	sand.u32 $0x1, s17;
	[dreg:$0xf] =	wrdreg s24  }
0xe: {  	s21 =	simm.s32 $0x9;
	[dreg:$0x6] =	wrdreg s26;
	s10 =	smul.u32 $0x13880, s6  }
0xf: {  	s19 =	ssub.s32 $0x2, s6;
	s11 =	sshll.u32 s6, $0x4;
	s20 =	smul.u32 $0x9C400, s6  }
0x10: {  	s22 =	sshll.u32 s6, $0x7;
	s8 =	sshrl.u32 s18, $0x2;
	s18 =	sshrl.u32 @!p0 s2, $0x3  }
0x11: {  	p1 =	seq.s32 s6, $0x0;
	s12 =	sshrl.u32 s19, $0x1;
	s0 =	sadd.s32 s11, s0  }
0x12: {  	s8 =	sadd.s32 s8, s2;
	[dreg:$0xc] =	wrdreg s22;
	s25 =	sor.u32 $0x3000, s22  }
0x13: {  	s22 =	simm.s32 $0x8000;
	s9 =	ssub.s32 s19, s12;
	s10 =	sadd.s32 s13, s10  }
0x14: {  	s11 =	sshrl.u32 s20, $0x3;
	s0 =	sadd.s32 $0x28A00, s0;
	[dreg:$0x10] =	wrdreg s25  }
0x15: {  	s19 =	sshrl.u32 @!p0 s3, $0x3;
	s24 =	sshrl.u32 s8, $0x3;
	s10 =	sadd.s32 s1, s10  }
.Ltmp0:
0x16: {  	[dreg:$0xe] =	wrdreg s0;
	s23 =	sadd.s32 s1, s11;
	(pc) =	sbr.rel .LBB2_1-.Ltmp0, $4  }
0x17: {  	s1 =	sadd.s32 $0x9C000, s2;
	s15 =	smax.u32 s9, $0x1;
	s0 =	simm.s32 @!p1 $0x0  }
0x18: {  	[dreg:$0xd] =	wrdreg s10;
	s0 =	simm.s32 @p1 $0x1;
	p1 =	sne.s32 @!p2 s7, $0xF  }
0x19: {  	s14 =	sadd.s32 $0x13800, s23;
	s23 =	simm.s32 $0x0;
	p3 =	por p1, p2  }
0x1a: {  	v0 =	vimm.f32 $1.000000000e+00;
	[smem:$0x7FD] =	sst s0;
	s0 =	simm.s32 $0x7;
	s25 =	sshrl.u32 @!p3 s1, $0x3  }
.LBB2_8:
0x1b: {  	[sflag:s9] =	ssyncadd.s32 @!p4 $0xFFFFFF80;
	s1 =	sshrl.u32 @!p6 s20, $0x3  }
0x1c: {  	[tilespmem:s10], [sflag:$0x2] =	stream.linear.gather @!p6 [hbm4b:s16+s11], $0x4000, $0x38;
	[tilespmem:$0x11FC0] =	vst v63  }
0x1d: {  	s6 =	simm.s32 @!p6 $0x8080;
	s1 =	sadd.s32 @!p6 s5, s1  }
0x1e: {  	[tilespmem:s6], [sflag:$0x4] =	stream.linear.gather @!p6 [hbm4b:s1+s11], $0x80, $0x38;
	[tilespmem:$0x11FC0] =	vst v63  }
.LBB2_9:
0x1f: {  	s1 =	sshll.u32 s7, $0x6;
	[bflag:$0x0] =	sbarrier.arrive $0xFFFF  }
0x20: {  	s1 =	sor.u32 $0x1C09, s1;
	s6 =	rddreg [dreg:$0xd]  }
0x21: {  	[hbm:s6], [sflag:s1] =	dma.local [spmem:s24], $0x1380  }
0x22: {  	s8 =	simm.s32 @p2 $0x1;
	_ =	swait.ge [sflag:s21], $0x1380  }
0x23: {  	s9 =	simm.s32 @p2 $0x20;
	s10 =	simm.s32 @p2 $0x10;
	[sflag:s21] =	ssyncset.done $0x0  }
0x24: {  	s6 =	sshrl.u32 @p2 s3, $0x3;
	s11 =	rddreg [dreg:$0xe];
	[sflag:s21] =	ssyncadd.s32 $0xFFFFEC80  }
0x25: {  	[hbm:s11@s9], [sflag:s1] =	dma.strided @p2 [spmem:s6@s10], $0x280, s8, $0x10   }
0x26: {  	s6 =	simm.s32 @p2 $0x9  }
0x27: {  	_ =	swait.ge @p2 [sflag:s6], $0x280  }
0x28: {  	s23 =	sadd.s32 $0x1, s23;
	[sflag:s6] =	ssyncset.done @p2 $0x0  }
0x29: {  	p1 =	sne.s32 s23, s15;
	[sflag:s6] =	ssyncadd.s32 @p2 $0xFFFFFD80  }
0x2a: {  	[hbm:s14], [sflag:s1] =	dma.local @!p3 [spmem:s25], $0x80  }
.Ltmp1:
0x2b: {  	_ = 	snop;
	(pc) =	sbr.rel @!p1 .LBB2_10-.Ltmp1, $4  }
0x2c: {  	s1 =	simm.s32 @!p3 $0x9  }
0x2d: {  	_ =	swait.ge @!p3 [sflag:s1], $0x80  }
0x2e: {  	[sflag:s1] =	ssyncset.done @!p3 $0x0  }
0x2f: {  	[sflag:s1] =	ssyncadd.s32 @!p3 $0xFFFFFF80  }
.LBB2_1:
0x30: {  	[tilespmem:$0x8100] =	vst v0  }
0x31: {  	[tilespmem:$0x8110] =	vst v0  }
0x32: {  	[tilespmem:$0x8120] =	vst v0  }
0x33: {  	[tilespmem:$0x8130] =	vst v0  }
0x34: {  	[tilespmem:$0x8140] =	vst v0  }
0x35: {  	[tilespmem:$0x8150] =	vst v0  }
0x36: {  	[tilespmem:$0x8160] =	vst v0  }
0x37: {  	[tilespmem:$0x8170] =	vst v0;
	s1 =	simm.s32 @!p0 $0x1C09;
	s6 =	rddreg [dreg:$0x9]  }
0x38: {  	[spmem:s18], [sflag:s1] =	dma.local @!p0 [hbm:s6], $0x13900  }
0x39: {  	s6 =	simm.s32 @!p0 $0x9  }
0x3a: {  	_ =	swait.ge @!p0 [sflag:s6], $0x13900  }
0x3b: {  	[sflag:s6] =	ssyncset.done @!p0 $0x0  }
0x3c: {  	s8 =	rddreg [dreg:$0xa];
	[sflag:s6] =	ssyncadd.s32 @!p0 $0xFFFEC700  }
0x3d: {  	[spmem:s19], [sflag:s1] =	dma.local @!p0 [hbm:s8], $0x280  }
0x3e: {  	_ =	swait.ge @!p0 [sflag:s6], $0x280  }
0x3f: {  	[sflag:s6] =	ssyncset.done @!p0 $0x0  }
0x40: {  	s20 =	simm.s32 $0x8180;
	s17 =	rddreg [dreg:$0x8];
	[sflag:s6] =	ssyncadd.s32 @!p0 $0xFFFFFD80  }
0x41: {  	[tilespmem:s20], [sflag:$0x9] =	stream.linear.gather [hbm4b:s17+s4], $0x80, $0x38;
	[tilespmem:$0x11FC0] =	vst v63  }
0x42: {  	_ =	swait.ge [sflag:s21], $0x80  }
0x43: {  	[sflag:s21] =	ssyncset.done $0x0  }
0x44: {  	[sflag:s21] =	ssyncadd.s32 $0xFFFFFF80  }
0x45: {  	v1 =	vld [tilespmem:$0x8180];
	_ =	sdelay $0x4  }
0x46: {  	(v2sf) =	vpush v1, $0x0  }
0x47: {  	(v2sf) =	vpush v1, $0x1;
	_ =	sdelay $0xc  }
0x48: {  	s9 =	sld [smem:$0x7FD]  }
0x49: {  	s1 =	spop (v2sf)  }
0x4a: {  	s6 =	spop (v2sf)  }
0x4b: {  	p1 =	seq.s32 s9, $0x1;
	s8 =	ssub.s32 $0x9C4, s6  }
0x4c: {  	s26 =	rddreg [dreg:$0xb];
	s8 =	smov.u32 @p1 s1  }
0x4d: {  	s1 =	sadd.s32 s8, s26  }
0x4e: {  	s26 =	sshra.s32 s1, $0x4  }
0x4f: {  	s6 =	simm.s32 @p1 $0x0;
	p1 =	slt.s32 s26, $0x1  }
.Ltmp2:
0x50: {  	_ = 	snop;
	(pc) =	sbr.rel @p1 .LBB2_4-.Ltmp2, $3  }
0x51: {  	_ =	sdelay $0x1  }
0x52: {  	[bflag:$0x0] =	sbarrier.arrive $0xFFFF;
	s6 =	sadd.s32 s7, s6;
	s1 =	sadd.s32 $0x1, s26  }
0x53: {  	s8 =	sshll.u32 s6, $0xB;
	s1 =	sshra.s32 s1, $0x1  }
0x54: {  	s9 =	sand.u32 $0x1FFFF800, s8;
	s10 =	rddreg [dreg:$0x0]  }
0x55: {  	p1 =	seq.s32 s26, $0x1;
	s10 =	sadd.s32 s10, s9;
	s9 =	simm.s32 $0x0  }
0x56: {  	[tilespmem:s9], [sflag:$0x1] =	stream.linear.gather [hbm4b:s10+s9], $0x4000, $0x38;
	[tilespmem:$0x11FC0] =	vst v63  }
.Ltmp3:
0x57: {  	s20 =	sshll.u32 s6, $0x8;
	s11 =	rddreg [dreg:$0xc];
	(pc) =	sbr.rel @p1 .LBB2_6-.Ltmp3, $4  }
0x58: {  	s10 =	sor.u32 s11, s20  }
0x59: {  	s10 =	sshrl.u32 s10, $0x3  }
0x5a: {  	s10 =	sadd.s32 s5, s10  }
0x5b: {  	[tilespmem:s22], [sflag:$0x3] =	stream.linear.gather [hbm4b:s10+s9], $0x80, $0x38;
	[tilespmem:$0x11FC0] =	vst v63  }
0x5c: {  	s9 =	sshll.u32 s6, $0x7  }
0x5d: {  	s11 =	rddreg [dreg:$0x0];
	s9 =	sadd.s32 $0x800, s9  }
0x5e: {  	s17 =	rddreg [dreg:$0xc];
	s10 =	sshll.u32 s9, $0x4;
	s9 =	sshll.u32 s9, $0x1  }
0x5f: {  	s16 =	simm.s32 $0x4000;
	s10 =	sadd.s32 s11, s10;
	s9 =	sor.u32 s17, s9  }
0x60: {  	[tilespmem:s16], [sflag:$0x2] =	stream.linear.gather [hbm4b:s10+s4], $0x4000, $0x38;
	[tilespmem:$0x11FC0] =	vst v63  }
0x61: {  	s9 =	sshrl.u32 s9, $0x3  }
0x62: {  	s20 =	simm.s32 $0x8080;
	s9 =	sadd.s32 s5, s9  }
0x63: {  	[tilespmem:s20], [sflag:$0x4] =	stream.linear.gather [hbm4b:s9+s4], $0x80, $0x38;
	[tilespmem:$0x11FC0] =	vst v63  }
.LBB2_4:
0x64: {  	p1 =	slt.s32 s1, $0x1  }
.Ltmp4:
0x65: {  	_ = 	snop;
	(pc) =	sbr.rel @p1 .LBB2_9-.Ltmp4, $1  }
0x66: {  	_ =	sdelay $0x3  }
0x67: {  	s9 =	sadd.s32 $0xFFFFFFFF, s26  }
.LBB2_6:
0x68: {  	[dreg:$0x7] =	wrdreg s9  }
0x69: {  	_ =	swait.ge [sflag:s28], $0x4000  }
0x6a: {  	[sflag:s28] =	ssyncset.done $0x0  }
0x6b: {  	[sflag:s28] =	ssyncadd.s32 $0xFFFFC000  }
0x6c: {  	_ =	swait.ge [sflag:s29], $0x80  }
0x6d: {  	[sflag:s29] =	ssyncset.done $0x0;
	s16 =	rddreg [dreg:$0x7]  }
0x6e: {  	[sflag:s29] =	ssyncadd.s32 $0xFFFFFF80;
	p4 =	sle.s32 s16, $0x0  }
0x6f: {  	[spmem:s2] =	stream.indirect.scatter.add.f32 [tilespmem:s4], [sflag:$0x5], $0x80, s22, s30, $0xb8;
	[tilespmem:$0x11FC0] =	vst v63  }
0x70: {  	s10 =	rddreg [dreg:$0x6];
	s9 =	simm.s32 @!p4 $0x2  }
0x71: {  	[spmem:s3] =	stream.indirect.scatter.add.f32 [tilespmem:s10], [sflag:$0x7], $0x1, s22, s30, $0xb8;
	[tilespmem:$0x11FC0] =	vst v63  }
0x72: {  	_ =	swait.ge @!p4 [sflag:s9], $0x4000  }
0x73: {  	[sflag:s9] =	ssyncset.done @!p4 $0x0  }
0x74: {  	s10 =	simm.s32 @!p4 $0x4;
	[sflag:s9] =	ssyncadd.s32 @!p4 $0xFFFFC000  }
0x75: {  	_ =	swait.ge @!p4 [sflag:s10], $0x80  }
0x76: {  	s11 =	simm.s32 @!p4 $0x80;
	[sflag:s10] =	ssyncset.done @!p4 $0x0  }
0x77: {  	s16 =	simm.s32 @!p4 $0x8080;
	s9 =	simm.s32 @!p4 $0x4000;
	[sflag:s10] =	ssyncadd.s32 @!p4 $0xFFFFFF80  }
0x78: {  	[spmem:s2] =	stream.indirect.scatter.add.f32 @!p4 [tilespmem:s9], [sflag:$0x6], $0x80, s16, s11, $0xb8;
	[tilespmem:$0x11FC0] =	vst v63  }
0x79: {  	s9 =	simm.s32 @!p4 $0x8100  }
0x7a: {  	[spmem:s3] =	stream.indirect.scatter.add.f32 @!p4 [tilespmem:s9], [sflag:$0x8], $0x1, s16, s11, $0xb8;
	[tilespmem:$0x11FC0] =	vst v63  }
0x7b: {  	_ =	swait.ge [sflag:s31], $0x4000  }
0x7c: {  	s6 =	sshll.u32 s6, $0x8;
	p1 =	sle.s32 s26, $0x2;
	[sflag:s31] =	ssyncset.done $0x0  }
0x7d: {  	s9 =	simm.s32 @!p1 $0x0;
	s20 =	rddreg [dreg:$0x10];
	[sflag:s31] =	ssyncadd.s32 $0xFFFFC000  }
0x7e: {  	s17 =	rddreg [dreg:$0xf];
	s20 =	sadd.s32 s6, s20;
	_ =	swait.ge [sflag:s0], $0x80  }
0x7f: {  	s16 =	sadd.s32 s8, s17;
	s8 =	sadd.s32 @!p1 $0xFFFFF000, s20;
	[sflag:s0] =	ssyncset.done $0x0  }
0x80: {  	s6 =	sadd.s32 @!p1 $0xFFFF8000, s16;
	s8 =	sshrl.u32 @!p1 s8, $0x3;
	[sflag:s0] =	ssyncadd.s32 $0xFFFFFF80  }
0x81: {  	[tilespmem:s9], [sflag:$0x1] =	stream.linear.gather @!p1 [hbm4b:s6+s9], $0x4000, $0x38;
	[tilespmem:$0x11FC0] =	vst v63  }
0x82: {  	s1 =	sadd.s32 $0xFFFFFFFF, s1;
	s8 =	sadd.s32 @!p1 s5, s8;
	s6 =	simm.s32 @!p1 $0x8000  }
0x83: {  	[tilespmem:s6], [sflag:$0x3] =	stream.linear.gather @!p1 [hbm4b:s8+s9], $0x80, $0x38;
	[tilespmem:$0x11FC0] =	vst v63  }
0x84: {  	s10 =	simm.s32 @!p4 $0x6;
	p1 =	sne.s32 s1, $0x0  }
.Ltmp5:
0x85: {  	p5 =	sle.s32 @!p4 s26, $0x3;
	_ =	swait.ge @!p4 [sflag:s10], $0x4000;
	(pc) =	sbr.rel @!p1 .LBB2_8-.Ltmp5, $4  }
0x86: {  	p6 =	por p5, p4;
	[sflag:s10] =	ssyncset.done @!p4 $0x0  }
0x87: {  	s11 =	simm.s32 @!p6 $0x0;
	s9 =	simm.s32 @!p4 $0x8;
	[sflag:s10] =	ssyncadd.s32 @!p4 $0xFFFFC000  }
0x88: {  	s17 =	simm.s32 $0x5;
	s6 =	sadd.s32 $0x2000, s20;
	_ =	swait.ge @!p4 [sflag:s9], $0x80  }
0x89: {  	s8 =	sadd.s32 $0x10000, s16;
	s10 =	simm.s32 @!p6 $0x4000;
	[sflag:s9] =	ssyncset.done @!p4 $0x0  }
.LBB2_7:
0x8a: {  	[sflag:s9] =	ssyncadd.s32 @!p4 $0xFFFFFF80;
	s9 =	sshrl.u32 @!p6 s20, $0x3  }
0x8b: {  	[tilespmem:s10], [sflag:$0x2] =	stream.linear.gather @!p6 [hbm4b:s16+s11], $0x4000, $0x38;
	[tilespmem:$0x11FC0] =	vst v63  }
0x8c: {  	s12 =	simm.s32 @!p6 $0x8080;
	s9 =	sadd.s32 @!p6 s5, s9  }
0x8d: {  	[tilespmem:s12], [sflag:$0x4] =	stream.linear.gather @!p6 [hbm4b:s9+s11], $0x80, $0x38;
	[tilespmem:$0x11FC0] =	vst v63  }
0x8e: {  	_ =	swait.ge [sflag:s28], $0x4000  }
0x8f: {  	[sflag:s28] =	ssyncset.done $0x0  }
0x90: {  	[sflag:s28] =	ssyncadd.s32 $0xFFFFC000  }
0x91: {  	_ =	swait.ge [sflag:s29], $0x80  }
0x92: {  	s10 =	sadd.s32 $0xFFFFFFFD, s17;
	[sflag:s29] =	ssyncset.done $0x0;
	s11 =	rddreg [dreg:$0x7]  }
0x93: {  	[sflag:s29] =	ssyncadd.s32 $0xFFFFFF80;
	p4 =	sge.s32 s10, s11  }
0x94: {  	[spmem:s2] =	stream.indirect.scatter.add.f32 [tilespmem:s4], [sflag:$0x5], $0x80, s22, s30, $0xb8;
	[tilespmem:$0x11FC0] =	vst v63  }
0x95: {  	s12 =	rddreg [dreg:$0x6];
	s9 =	simm.s32 @!p4 $0x2  }
0x96: {  	[spmem:s3] =	stream.indirect.scatter.add.f32 [tilespmem:s12], [sflag:$0x7], $0x1, s22, s30, $0xb8;
	[tilespmem:$0x11FC0] =	vst v63  }
0x97: {  	_ =	swait.ge @!p4 [sflag:s9], $0x4000  }
0x98: {  	[sflag:s9] =	ssyncset.done @!p4 $0x0  }
0x99: {  	s10 =	simm.s32 @!p4 $0x4;
	[sflag:s9] =	ssyncadd.s32 @!p4 $0xFFFFC000  }
0x9a: {  	_ =	swait.ge @!p4 [sflag:s10], $0x80  }
0x9b: {  	s11 =	simm.s32 @!p4 $0x4000;
	[sflag:s10] =	ssyncset.done @!p4 $0x0  }
0x9c: {  	s12 =	simm.s32 @!p4 $0x8080;
	s9 =	simm.s32 @!p4 $0x80;
	[sflag:s10] =	ssyncadd.s32 @!p4 $0xFFFFFF80  }
0x9d: {  	[spmem:s2] =	stream.indirect.scatter.add.f32 @!p4 [tilespmem:s11], [sflag:$0x6], $0x80, s12, s9, $0xb8;
	[tilespmem:$0x11FC0] =	vst v63  }
0x9e: {  	s13 =	simm.s32 @!p4 $0x8100  }
0x9f: {  	[spmem:s3] =	stream.indirect.scatter.add.f32 @!p4 [tilespmem:s13], [sflag:$0x8], $0x1, s12, s9, $0xb8;
	[tilespmem:$0x11FC0] =	vst v63  }
0xa0: {  	_ =	swait.ge [sflag:s31], $0x4000  }
0xa1: {  	s1 =	sadd.s32 $0xFFFFFFFF, s1;
	[sflag:s31] =	ssyncset.done $0x0  }
0xa2: {  	s20 =	smov.u32 s6;
	s13 =	sadd.s32 $0xFFFFFFFF, s17;
	[sflag:s31] =	ssyncadd.s32 $0xFFFFC000  }
0xa3: {  	p5 =	sne.s32 s1, $0x0;
	p1 =	sge.s32 s13, s26;
	_ =	swait.ge [sflag:s0], $0x80  }
0xa4: {  	s9 =	sadd.s32 @!p1 $0xFFFF8000, s8;
	s11 =	sadd.s32 @!p1 $0xFFFFF000, s6;
	[sflag:s0] =	ssyncset.done $0x0  }
0xa5: {  	s13 =	simm.s32 @!p1 $0x0;
	s11 =	sshrl.u32 @!p1 s11, $0x3;
	[sflag:s0] =	ssyncadd.s32 $0xFFFFFF80  }
0xa6: {  	[tilespmem:s13], [sflag:$0x1] =	stream.linear.gather @!p1 [hbm4b:s9+s13], $0x4000, $0x38;
	[tilespmem:$0x11FC0] =	vst v63  }
0xa7: {  	s12 =	simm.s32 @!p4 $0x6;
	s10 =	simm.s32 @!p1 $0x8000;
	s11 =	sadd.s32 @!p1 s5, s11  }
0xa8: {  	[tilespmem:s10], [sflag:$0x3] =	stream.linear.gather @!p1 [hbm4b:s11+s13], $0x80, $0x38;
	[tilespmem:$0x11FC0] =	vst v63  }
.Ltmp6:
0xa9: {  	p6 =	sge.s32 @!p4 s17, s26;
	_ =	swait.ge @!p4 [sflag:s12], $0x4000;
	(pc) =	sbr.rel @p5 .LBB2_7-.Ltmp6, $4  }
0xaa: {  	s16 =	smov.u32 s8;
	p6 =	por p6, p4;
	[sflag:s12] =	ssyncset.done @!p4 $0x0  }
0xab: {  	s17 =	sadd.s32 $0x2, s17;
	s9 =	simm.s32 @!p4 $0x8;
	[sflag:s12] =	ssyncadd.s32 @!p4 $0xFFFFC000  }
0xac: {  	s6 =	sadd.s32 $0x2000, s6;
	s8 =	sadd.s32 $0x10000, s8;
	_ =	swait.ge @!p4 [sflag:s9], $0x80  }
0xad: {  	s11 =	simm.s32 @!p6 $0x0;
	s10 =	simm.s32 @!p6 $0x4000;
	[sflag:s9] =	ssyncset.done @!p4 $0x0  }
.Ltmp7:
0xae: {  	_ = 	snop;
	(pc) =	sbr.rel .LBB2_8-.Ltmp7, $1  }
0xaf: {  	_ =	sdelay $0x3  }
.LBB2_10:
0xb0: {  	_ =	sfence.sel $0x180000  }
0xb1: {  	[bflag:$0x0] =	sbarrier.arrive $0xFFFF  }
0xb2: {  	_ =	strace $0x90000047  }
0xb3: {  	[bflag:$0x2] =	sbarrier.arrive $0xFFFF  }
0xb4: {  	s0 =	rddreg [dreg:$0x5]  }
0xb5: {  	s0 =	sadd.s32 @!p0 $0x100000, s0  }
0xb6: {  	[sflag:s0] =	ssyncadd.tile.s32 @!p0 $0x1;
	_ =	shalt  }
.Lfunc_end2:
_tile_overlayer_lowered:
.L_overlay_start_2:
0xb7: {  	(tag) =	ssettag $0x2  }
0xb8: {  	s0 =	rddreg [dreg:$0x0];
	s2 =	stileid.u32  }
0xb9: {  	s1 =	rddreg [dreg:$0x1];
	p0 =	sne.s32 s2, $0x0  }
0xba: {  	s3 =	rddreg [dreg:$0x2];
	[bflag:$0x3] =	sbarrier.arrive $0xFFFF;
	s2 =	simm.s32 @!p0 $0x1C09  }
0xbb: {  	[timem:s3], [sflag:s2] =	dma.local @!p0 [hbm:s0], s1  }
0xbc: {  	s0 =	simm.s32 @!p0 $0x9  }
0xbd: {  	_ =	swait.ge @!p0 [sflag:s0], s1  }
0xbe: {  	s1 =	ssub.s32 @!p0 $0x0, s1;
	[sflag:s0] =	ssyncset.done @!p0 $0x0  }
0xbf: {  	[sflag:s0] =	ssyncadd.s32 @!p0 s1  }
0xc0: {  	[bflag:$0x3] =	sbarrier.arrive $0xFFFF  }
0xc1: {  	_ =	shalt  }

</sc_bundles>
